<compile_context>
chip_gen: v7x
topology: tpu7x:2x2x1
jax: 0.10.2.dev20260603
libtpu: 0.0.44.dev20260713+nightly
codegen_flags: <defaults>
</compile_context>

<pallas_src>
import jax
import jax.numpy as jnp
from jax import lax
from jax.experimental import pallas as pl
from jax.experimental.pallas import tpu as pltpu
from jax.experimental.pallas import tpu_sc as plsc

N_EDGES = 6400000
D_EDGE = 4
LANES = 16
BLK = 2048
NB = N_EDGES // BLK
NC = 2
NS = 16
NW = NC * NS
NB_LO = NB // NW
N_HI = NB - NB_LO * NW

_MESH = plsc.VectorSubcoreMesh(core_axis_name="c", subcore_axis_name="s")
_PARAMS = pltpu.CompilerParams(needs_layout_passes=False,
                               use_tc_tiling_on_sc=False)


def _wid():
    return lax.axis_index("s") * NC + lax.axis_index("c")


def _chunk(w):
    nb = jnp.where(w < N_HI, NB_LO + 1, NB_LO)
    sb = w * NB_LO + jnp.minimum(w, N_HI)
    return sb, nb


def _count_body(mask_hbm, counts_hbm, mask_v, out_v):
    w = _wid()
    sb, nb = _chunk(w)

    def block(k, acc):
        pltpu.sync_copy(mask_hbm.at[pl.ds((sb + k) * BLK, BLK)], mask_v)

        def vreg(j, acc):
            for u in range(8):
                acc = acc + mask_v[pl.ds((j * 8 + u) * LANES, LANES)]
            return acc

        return lax.fori_loop(0, BLK // (8 * LANES), vreg, acc)

    acc = lax.fori_loop(0, nb, block, jnp.zeros((LANES,), jnp.int32))
    out_v[...] = jnp.full((LANES,), jnp.sum(acc), jnp.int32)
    pltpu.sync_copy(out_v.at[pl.ds(0, 8)], counts_hbm.at[pl.ds(w * 8, 8)])


def _part_body(mask_hbm, ei0_hbm, ei1_hbm, attr_hbm, counts_hbm,
               oei0_hbm, oei1_hbm, oattr_hbm, nm_hbm,
               mask_v, ei0_v, ei1_v, attr_v, destf_v, dest4_v,
               cnt_v, nm_v, sem_in, sem_out):
    w = _wid()
    sb, nb = _chunk(w)

    pltpu.sync_copy(counts_hbm, cnt_v)
    iota = lax.iota(jnp.int32, LANES)
    m_off = jnp.int32(0)
    total = jnp.int32(0)
    for h in range(NW // LANES):
        ids = iota + h * LANES
        vec = plsc.load_gather(cnt_v, [ids * 8])
        m_off = m_off + jnp.sum(jnp.where(ids < w, vec, 0))
        total = total + jnp.sum(vec)
    n_kept = N_EDGES - total

    @pl.when(w == 0)
    def _():
        nm_v[...] = jnp.full((LANES,), total, jnp.int32)
        pltpu.sync_copy(nm_v.at[pl.ds(0, 8)], nm_hbm)

    c4 = iota // 4
    ccol = iota % 4

    def block(k, m_run):
        base = (sb + k) * BLK
        pltpu.sync_copy(mask_hbm.at[pl.ds(base, BLK)], mask_v)
        din0 = pltpu.async_copy(ei0_hbm.at[pl.ds(base, BLK)], ei0_v, sem_in)
        din1 = pltpu.async_copy(ei1_hbm.at[pl.ds(base, BLK)], ei1_v, sem_in)
        din2 = pltpu.async_copy(attr_hbm.at[pl.ds(base * D_EDGE, BLK * D_EDGE)],
                                attr_v, sem_in)

        def vbody(j, mr):
            for u in range(8):
                off = (j * 8 + u) * LANES
                mvec = mask_v[pl.ds(off, LANES)]
                excl = plsc.cumsum(mvec) - mvec
                before = mr + excl
                gi = base + off + iota
                dest = jnp.where(mvec == 1, n_kept + before, gi - before)
                destf_v[pl.ds(off, LANES)] = dest
                mr = mr + jnp.sum(mvec)
            return mr


        def wbody(j, _):
            for u in range(8):
                woff = (j * 8 + u) * LANES
                p = plsc.load_gather(destf_v, [woff // 4 + c4])
                dest4_v[pl.ds(woff, LANES)] = p * 4 + ccol
            return 0


        din0.wait()
        din1.wait()
        din2.wait()

        d0 = pltpu.async_copy(ei0_v, oei0_hbm.at[pl.ds(base, BLK)], sem_out)
        d1 = pltpu.async_copy(ei1_v, oei1_hbm.at[pl.ds(base, BLK)], sem_out)
        d2 = pltpu.async_copy(attr_v,
                              oattr_hbm.at[pl.ds(base * D_EDGE, BLK * D_EDGE)],
                              sem_out)
        d0.wait()
        d1.wait()
        d2.wait()
        return m_run

    lax.fori_loop(0, nb, block, m_off)


@jax.jit
def kernel(edge_index, edge_attr, mask):
    maski = mask.astype(jnp.int32)
    ei0 = edge_index[0]
    ei1 = edge_index[1]
    attr = edge_attr.reshape(N_EDGES * D_EDGE)

    counts = pl.kernel(
        _count_body,
        out_type=jax.ShapeDtypeStruct((NW * 8,), jnp.int32),
        mesh=_MESH,
        compiler_params=_PARAMS,
        scratch_types=[
            pltpu.VMEM((BLK,), jnp.int32),
            pltpu.VMEM((LANES,), jnp.int32),
        ],
    )(maski)

    oei0, oei1, oattr, nm = pl.kernel(
        _part_body,
        out_type=(
            jax.ShapeDtypeStruct((N_EDGES,), jnp.int32),
            jax.ShapeDtypeStruct((N_EDGES,), jnp.int32),
            jax.ShapeDtypeStruct((N_EDGES * D_EDGE,), jnp.float32),
            jax.ShapeDtypeStruct((8,), jnp.int32),
        ),
        mesh=_MESH,
        compiler_params=_PARAMS,
        scratch_types=[
            pltpu.VMEM((BLK,), jnp.int32),
            pltpu.VMEM((BLK,), jnp.int32),
            pltpu.VMEM((BLK,), jnp.int32),
            pltpu.VMEM((BLK * D_EDGE,), jnp.float32),
            pltpu.VMEM((BLK,), jnp.int32),
            pltpu.VMEM((BLK * D_EDGE,), jnp.int32),
            pltpu.VMEM((NW * 8,), jnp.int32),
            pltpu.VMEM((LANES,), jnp.int32),
            pltpu.SemaphoreType.DMA,
            pltpu.SemaphoreType.DMA,
        ],
    )(maski, ei0, ei1, attr, counts)

    part_edge_index = jnp.stack([oei0, oei1])
    return part_edge_index, oattr.reshape(N_EDGES, D_EDGE), nm[0]

# --- scband reference (transcript-rebuilt; emitter-appended) ---
"""Pipeline reference for scband-mask-edges-47287589929662 (READ-ONLY COPY).

The authoritative reference and input builder live on the scoring server;
editing this copy changes nothing except your own understanding.
"""

import jax, jax.numpy as jnp
import numpy as np

N_NODES = 100000
N_EDGES = 6400000
D_EDGE = 4


def setup_inputs(seed: int = 0) -> dict:
    key = jax.random.key(seed)
    k1, k2, k3 = jax.random.split(key, 3)
    edge_index = jax.random.randint(k1, (2, N_EDGES), 0, N_NODES, dtype=jnp.int32)
    edge_attr = jax.random.normal(k2, (N_EDGES, D_EDGE), dtype=jnp.float32)
    mask = jax.random.bernoulli(k3, 0.5, (N_EDGES,))
    return {"edge_index": edge_index, "edge_attr": edge_attr, "mask": mask}


def reference(edge_index, edge_attr, mask):
    # Faithful static-shape analog of tfgnn.ops.mask_edges: partition the edge set
    # into a kept edge set (mask == False) and a masked edge set (mask == True).
    # jnp.argsort is stable, so relative edge order within each partition is
    # preserved, exactly as mask_edges preserves edge order in each new edge set.
    maski = mask.astype(jnp.int32)
    perm = jnp.argsort(maski)  # kept edges first, masked edges last
    part_edge_index = jnp.take(edge_index, perm, axis=1)
    part_edge_attr = jnp.take(edge_attr, perm, axis=0)
    num_masked = jnp.sum(maski)
    # Rows [0 : N_EDGES - num_masked] of the partitioned arrays form the kept
    # edge set ('edges'); rows [N_EDGES - num_masked :] form 'masked_edges'.
    return part_edge_index, part_edge_attr, num_masked

if __name__ == "__main__":
    import jax
    _d = setup_inputs()
    print(jax.jit(kernel)(*tuple(_d.values())))

</pallas_src>

<mosaic_0001>
#map = affine_map<(d0, d1) -> (0)>
module attributes {stable_mosaic.version = 14 : i64} {
  func.func @_count_body(%arg0: i32, %arg1: i32, %arg2: memref<6400000xi32, #tpu.memory_space<hbm>>, %arg3: memref<256xi32, #tpu.memory_space<hbm>>, %arg4: memref<2048xi32, #tpu.memory_space<vmem>>, %arg5: memref<16xi32, #tpu.memory_space<vmem>>) attributes {dimension_semantics = [#tpu.dimension_semantics<core_parallel>, #tpu.dimension_semantics<subcore_parallel>], iteration_bounds = array<i64: 2, 16>, scalar_prefetch = 0 : i64, scratch_operands = 2 : i64, tpu.core_type = #tpu.core_type<sc_vector_subcore>, window_params = [{transform_indices = #map}, {transform_indices = #map}]} {
    %mul3A = arith.constant 2 : i32
    %mul3A_0 = arith.muli %arg1, %mul3A : i32
    %add3A = arith.addi %mul3A_0, %arg0 : i32
    %lt3A = arith.constant 21 : i32
    %lt3A_1 = arith.cmpi slt, %add3A, %lt3A : i32
    %jit3A = arith.constant 98 : i32
    %jit3A_2 = arith.constant 97 : i32
    %select_n3A = arith.select %lt3A_1, %jit3A, %jit3A_2 : i32
    %mul3A_3 = arith.constant 97 : i32
    %mul3A_4 = arith.muli %add3A, %mul3A_3 : i32
    %min3A = arith.constant 21 : i32
    %min3A_5 = arith.minsi %add3A, %min3A : i32
    %add3A_6 = arith.addi %mul3A_4, %min3A_5 : i32
    %broadcast_in_dim3A = arith.constant 0 : i32
    %broadcast_in_dim3A_7 = vector.broadcast %broadcast_in_dim3A : i32 to vector<16xi32>
    %while3A = arith.constant 0 : i32
    %while3A_8 = arith.subi %select_n3A, %while3A : i32
    %while3A_9 = arith.addi %while3A, %while3A_8 : i32
    %while3A_10 = arith.constant 1 : i32
    %while3A_11 = arith.divsi %while3A_8, %while3A_10 : i32
    %while3A_12 = arith.muli %while3A_11, %while3A_10 : i32
    %while3A_13 = arith.addi %while3A, %while3A_12 : i32
    %while3A_14 = arith.constant 1 : i32
    %while3A_15 = scf.for %while3A_25 = %while3A to %while3A_13 step %while3A_14 iter_args(%while3A_26 = %broadcast_in_dim3A_7) -> (vector<16xi32>)  : i32 {
      %add3A_27 = arith.addi %add3A_6, %while3A_25 : i32
      %mul3A_28 = arith.constant 2048 : i32
      %mul3A_29 = arith.muli %add3A_27, %mul3A_28 : i32
      "tpu.region"() ({
        %run_scoped3A = tpu.sem_alloc : memref<!tpu.dma_semaphore, #tpu.memory_space<semaphore_mem>>
        %dma_start3A = tpu.memref_slice %arg2[%mul3A_29] : memref<6400000xi32, #tpu.memory_space<hbm>> -> memref<2048xi32, #tpu.memory_space<hbm>>
        %dma_start3A_35 = tpu.memref_slice %arg2[%mul3A_29] : memref<6400000xi32, #tpu.memory_space<hbm>> -> memref<2048xi32, #tpu.memory_space<hbm>>
        tpu.enqueue_dma source(%dma_start3A_35 : memref<2048xi32, #tpu.memory_space<hbm>>) target(%arg4 : memref<2048xi32, #tpu.memory_space<vmem>>) target_semaphore(%run_scoped3A : memref<!tpu.dma_semaphore, #tpu.memory_space<semaphore_mem>>)
        %dma_wait3A = tpu.memref_slice %arg2[%mul3A_29] : memref<6400000xi32, #tpu.memory_space<hbm>> -> memref<2048xi32, #tpu.memory_space<hbm>>
        %dma_wait3A_36 = tpu.memref_slice %arg2[%mul3A_29] : memref<6400000xi32, #tpu.memory_space<hbm>> -> memref<2048xi32, #tpu.memory_space<hbm>>
        tpu.wait_dma2 semaphore(%run_scoped3A : memref<!tpu.dma_semaphore, #tpu.memory_space<semaphore_mem>>) src(%dma_wait3A_36 : memref<2048xi32, #tpu.memory_space<hbm>>) dst(%arg4 : memref<2048xi32, #tpu.memory_space<vmem>>)
        tpu.yield
      }) : () -> ()
      %scan3A = arith.constant 0 : i32
      %scan3A_30 = arith.constant 16 : i32
      %scan3A_31 = arith.addi %scan3A, %scan3A_30 : i32
      %scan3A_32 = arith.constant 1 : i32
      %scan3A_33 = scf.for %scan3A_35 = %scan3A to %scan3A_31 step %scan3A_32 iter_args(%scan3A_36 = %while3A_26) -> (vector<16xi32>)  : i32 {
        %mul3A_37 = arith.constant 8 : i32
        %mul3A_38 = arith.muli %scan3A_35, %mul3A_37 : i32
        %add3A_39 = arith.constant 0 : i32
        %add3A_40 = arith.addi %mul3A_38, %add3A_39 : i32
        %mul3A_41 = arith.constant 16 : i32
        %mul3A_42 = arith.muli %add3A_40, %mul3A_41 : i32
        %get3A = arith.index_cast %mul3A_42 : i32 to index
        %get3A_43 = tpu.vector_load %arg4[%get3A] {strides = array<i32>} : memref<2048xi32, #tpu.memory_space<vmem>>, vector<16xi32>,
        %add3A_44 = arith.addi %scan3A_36, %get3A_43 : vector<16xi32>
        %mul3A_45 = arith.constant 8 : i32
        %mul3A_46 = arith.muli %scan3A_35, %mul3A_45 : i32
        %add3A_47 = arith.constant 1 : i32
        %add3A_48 = arith.addi %mul3A_46, %add3A_47 : i32
        %mul3A_49 = arith.constant 16 : i32
        %mul3A_50 = arith.muli %add3A_48, %mul3A_49 : i32
        %get3A_51 = arith.index_cast %mul3A_50 : i32 to index
        %get3A_52 = tpu.vector_load %arg4[%get3A_51] {strides = array<i32>} : memref<2048xi32, #tpu.memory_space<vmem>>, vector<16xi32>,
        %add3A_53 = arith.addi %add3A_44, %get3A_52 : vector<16xi32>
        %mul3A_54 = arith.constant 8 : i32
        %mul3A_55 = arith.muli %scan3A_35, %mul3A_54 : i32
        %add3A_56 = arith.constant 2 : i32
        %add3A_57 = arith.addi %mul3A_55, %add3A_56 : i32
        %mul3A_58 = arith.constant 16 : i32
        %mul3A_59 = arith.muli %add3A_57, %mul3A_58 : i32
        %get3A_60 = arith.index_cast %mul3A_59 : i32 to index
        %get3A_61 = tpu.vector_load %arg4[%get3A_60] {strides = array<i32>} : memref<2048xi32, #tpu.memory_space<vmem>>, vector<16xi32>,
        %add3A_62 = arith.addi %add3A_53, %get3A_61 : vector<16xi32>
        %mul3A_63 = arith.constant 8 : i32
        %mul3A_64 = arith.muli %scan3A_35, %mul3A_63 : i32
        %add3A_65 = arith.constant 3 : i32
        %add3A_66 = arith.addi %mul3A_64, %add3A_65 : i32
        %mul3A_67 = arith.constant 16 : i32
        %mul3A_68 = arith.muli %add3A_66, %mul3A_67 : i32
        %get3A_69 = arith.index_cast %mul3A_68 : i32 to index
        %get3A_70 = tpu.vector_load %arg4[%get3A_69] {strides = array<i32>} : memref<2048xi32, #tpu.memory_space<vmem>>, vector<16xi32>,
        %add3A_71 = arith.addi %add3A_62, %get3A_70 : vector<16xi32>
        %mul3A_72 = arith.constant 8 : i32
        %mul3A_73 = arith.muli %scan3A_35, %mul3A_72 : i32
        %add3A_74 = arith.constant 4 : i32
        %add3A_75 = arith.addi %mul3A_73, %add3A_74 : i32
        %mul3A_76 = arith.constant 16 : i32
        %mul3A_77 = arith.muli %add3A_75, %mul3A_76 : i32
        %get3A_78 = arith.index_cast %mul3A_77 : i32 to index
        %get3A_79 = tpu.vector_load %arg4[%get3A_78] {strides = array<i32>} : memref<2048xi32, #tpu.memory_space<vmem>>, vector<16xi32>,
        %add3A_80 = arith.addi %add3A_71, %get3A_79 : vector<16xi32>
        %mul3A_81 = arith.constant 8 : i32
        %mul3A_82 = arith.muli %scan3A_35, %mul3A_81 : i32
        %add3A_83 = arith.constant 5 : i32
        %add3A_84 = arith.addi %mul3A_82, %add3A_83 : i32
        %mul3A_85 = arith.constant 16 : i32
        %mul3A_86 = arith.muli %add3A_84, %mul3A_85 : i32
        %get3A_87 = arith.index_cast %mul3A_86 : i32 to index
        %get3A_88 = tpu.vector_load %arg4[%get3A_87] {strides = array<i32>} : memref<2048xi32, #tpu.memory_space<vmem>>, vector<16xi32>,
        %add3A_89 = arith.addi %add3A_80, %get3A_88 : vector<16xi32>
        %mul3A_90 = arith.constant 8 : i32
        %mul3A_91 = arith.muli %scan3A_35, %mul3A_90 : i32
        %add3A_92 = arith.constant 6 : i32
        %add3A_93 = arith.addi %mul3A_91, %add3A_92 : i32
        %mul3A_94 = arith.constant 16 : i32
        %mul3A_95 = arith.muli %add3A_93, %mul3A_94 : i32
        %get3A_96 = arith.index_cast %mul3A_95 : i32 to index
        %get3A_97 = tpu.vector_load %arg4[%get3A_96] {strides = array<i32>} : memref<2048xi32, #tpu.memory_space<vmem>>, vector<16xi32>,
        %add3A_98 = arith.addi %add3A_89, %get3A_97 : vector<16xi32>
        %mul3A_99 = arith.constant 8 : i32
        %mul3A_100 = arith.muli %scan3A_35, %mul3A_99 : i32
        %add3A_101 = arith.constant 7 : i32
        %add3A_102 = arith.addi %mul3A_100, %add3A_101 : i32
        %mul3A_103 = arith.constant 16 : i32
        %mul3A_104 = arith.muli %add3A_102, %mul3A_103 : i32
        %get3A_105 = arith.index_cast %mul3A_104 : i32 to index
        %get3A_106 = tpu.vector_load %arg4[%get3A_105] {strides = array<i32>} : memref<2048xi32, #tpu.memory_space<vmem>>, vector<16xi32>,
        %add3A_107 = arith.addi %add3A_98, %get3A_106 : vector<16xi32>
        scf.yield %add3A_107 : vector<16xi32>
      }
      %scan3A_34 = arith.constant 16 : i32
      scf.yield %scan3A_33 : vector<16xi32>
    }
    %while3A_16 = arith.constant 1 : i32
    %while3A_17 = scf.for %while3A_25 = %while3A_13 to %while3A_9 step %while3A_16 iter_args(%while3A_26 = %while3A_15) -> (vector<16xi32>)  : i32 {
      %add3A_27 = arith.addi %add3A_6, %while3A_25 : i32
      %mul3A_28 = arith.constant 2048 : i32
      %mul3A_29 = arith.muli %add3A_27, %mul3A_28 : i32
      "tpu.region"() ({
        %run_scoped3A = tpu.sem_alloc : memref<!tpu.dma_semaphore, #tpu.memory_space<semaphore_mem>>
        %dma_start3A = tpu.memref_slice %arg2[%mul3A_29] : memref<6400000xi32, #tpu.memory_space<hbm>> -> memref<2048xi32, #tpu.memory_space<hbm>>
        %dma_start3A_35 = tpu.memref_slice %arg2[%mul3A_29] : memref<6400000xi32, #tpu.memory_space<hbm>> -> memref<2048xi32, #tpu.memory_space<hbm>>
        tpu.enqueue_dma source(%dma_start3A_35 : memref<2048xi32, #tpu.memory_space<hbm>>) target(%arg4 : memref<2048xi32, #tpu.memory_space<vmem>>) target_semaphore(%run_scoped3A : memref<!tpu.dma_semaphore, #tpu.memory_space<semaphore_mem>>)
        %dma_wait3A = tpu.memref_slice %arg2[%mul3A_29] : memref<6400000xi32, #tpu.memory_space<hbm>> -> memref<2048xi32, #tpu.memory_space<hbm>>
        %dma_wait3A_36 = tpu.memref_slice %arg2[%mul3A_29] : memref<6400000xi32, #tpu.memory_space<hbm>> -> memref<2048xi32, #tpu.memory_space<hbm>>
        tpu.wait_dma2 semaphore(%run_scoped3A : memref<!tpu.dma_semaphore, #tpu.memory_space<semaphore_mem>>) src(%dma_wait3A_36 : memref<2048xi32, #tpu.memory_space<hbm>>) dst(%arg4 : memref<2048xi32, #tpu.memory_space<vmem>>)
        tpu.yield
      }) : () -> ()
      %scan3A = arith.constant 0 : i32
      %scan3A_30 = arith.constant 16 : i32
      %scan3A_31 = arith.addi %scan3A, %scan3A_30 : i32
      %scan3A_32 = arith.constant 1 : i32
      %scan3A_33 = scf.for %scan3A_35 = %scan3A to %scan3A_31 step %scan3A_32 iter_args(%scan3A_36 = %while3A_26) -> (vector<16xi32>)  : i32 {
        %mul3A_37 = arith.constant 8 : i32
        %mul3A_38 = arith.muli %scan3A_35, %mul3A_37 : i32
        %add3A_39 = arith.constant 0 : i32
        %add3A_40 = arith.addi %mul3A_38, %add3A_39 : i32
        %mul3A_41 = arith.constant 16 : i32
        %mul3A_42 = arith.muli %add3A_40, %mul3A_41 : i32
        %get3A = arith.index_cast %mul3A_42 : i32 to index
        %get3A_43 = tpu.vector_load %arg4[%get3A] {strides = array<i32>} : memref<2048xi32, #tpu.memory_space<vmem>>, vector<16xi32>,
        %add3A_44 = arith.addi %scan3A_36, %get3A_43 : vector<16xi32>
        %mul3A_45 = arith.constant 8 : i32
        %mul3A_46 = arith.muli %scan3A_35, %mul3A_45 : i32
        %add3A_47 = arith.constant 1 : i32
        %add3A_48 = arith.addi %mul3A_46, %add3A_47 : i32
        %mul3A_49 = arith.constant 16 : i32
        %mul3A_50 = arith.muli %add3A_48, %mul3A_49 : i32
        %get3A_51 = arith.index_cast %mul3A_50 : i32 to index
        %get3A_52 = tpu.vector_load %arg4[%get3A_51] {strides = array<i32>} : memref<2048xi32, #tpu.memory_space<vmem>>, vector<16xi32>,
        %add3A_53 = arith.addi %add3A_44, %get3A_52 : vector<16xi32>
        %mul3A_54 = arith.constant 8 : i32
        %mul3A_55 = arith.muli %scan3A_35, %mul3A_54 : i32
        %add3A_56 = arith.constant 2 : i32
        %add3A_57 = arith.addi %mul3A_55, %add3A_56 : i32
        %mul3A_58 = arith.constant 16 : i32
        %mul3A_59 = arith.muli %add3A_57, %mul3A_58 : i32
        %get3A_60 = arith.index_cast %mul3A_59 : i32 to index
        %get3A_61 = tpu.vector_load %arg4[%get3A_60] {strides = array<i32>} : memref<2048xi32, #tpu.memory_space<vmem>>, vector<16xi32>,
        %add3A_62 = arith.addi %add3A_53, %get3A_61 : vector<16xi32>
        %mul3A_63 = arith.constant 8 : i32
        %mul3A_64 = arith.muli %scan3A_35, %mul3A_63 : i32
        %add3A_65 = arith.constant 3 : i32
        %add3A_66 = arith.addi %mul3A_64, %add3A_65 : i32
        %mul3A_67 = arith.constant 16 : i32
        %mul3A_68 = arith.muli %add3A_66, %mul3A_67 : i32
        %get3A_69 = arith.index_cast %mul3A_68 : i32 to index
        %get3A_70 = tpu.vector_load %arg4[%get3A_69] {strides = array<i32>} : memref<2048xi32, #tpu.memory_space<vmem>>, vector<16xi32>,
        %add3A_71 = arith.addi %add3A_62, %get3A_70 : vector<16xi32>
        %mul3A_72 = arith.constant 8 : i32
        %mul3A_73 = arith.muli %scan3A_35, %mul3A_72 : i32
        %add3A_74 = arith.constant 4 : i32
        %add3A_75 = arith.addi %mul3A_73, %add3A_74 : i32
        %mul3A_76 = arith.constant 16 : i32
        %mul3A_77 = arith.muli %add3A_75, %mul3A_76 : i32
        %get3A_78 = arith.index_cast %mul3A_77 : i32 to index
        %get3A_79 = tpu.vector_load %arg4[%get3A_78] {strides = array<i32>} : memref<2048xi32, #tpu.memory_space<vmem>>, vector<16xi32>,
        %add3A_80 = arith.addi %add3A_71, %get3A_79 : vector<16xi32>
        %mul3A_81 = arith.constant 8 : i32
        %mul3A_82 = arith.muli %scan3A_35, %mul3A_81 : i32
        %add3A_83 = arith.constant 5 : i32
        %add3A_84 = arith.addi %mul3A_82, %add3A_83 : i32
        %mul3A_85 = arith.constant 16 : i32
        %mul3A_86 = arith.muli %add3A_84, %mul3A_85 : i32
        %get3A_87 = arith.index_cast %mul3A_86 : i32 to index
        %get3A_88 = tpu.vector_load %arg4[%get3A_87] {strides = array<i32>} : memref<2048xi32, #tpu.memory_space<vmem>>, vector<16xi32>,
        %add3A_89 = arith.addi %add3A_80, %get3A_88 : vector<16xi32>
        %mul3A_90 = arith.constant 8 : i32
        %mul3A_91 = arith.muli %scan3A_35, %mul3A_90 : i32
        %add3A_92 = arith.constant 6 : i32
        %add3A_93 = arith.addi %mul3A_91, %add3A_92 : i32
        %mul3A_94 = arith.constant 16 : i32
        %mul3A_95 = arith.muli %add3A_93, %mul3A_94 : i32
        %get3A_96 = arith.index_cast %mul3A_95 : i32 to index
        %get3A_97 = tpu.vector_load %arg4[%get3A_96] {strides = array<i32>} : memref<2048xi32, #tpu.memory_space<vmem>>, vector<16xi32>,
        %add3A_98 = arith.addi %add3A_89, %get3A_97 : vector<16xi32>
        %mul3A_99 = arith.constant 8 : i32
        %mul3A_100 = arith.muli %scan3A_35, %mul3A_99 : i32
        %add3A_101 = arith.constant 7 : i32
        %add3A_102 = arith.addi %mul3A_100, %add3A_101 : i32
        %mul3A_103 = arith.constant 16 : i32
        %mul3A_104 = arith.muli %add3A_102, %mul3A_103 : i32
        %get3A_105 = arith.index_cast %mul3A_104 : i32 to index
        %get3A_106 = tpu.vector_load %arg4[%get3A_105] {strides = array<i32>} : memref<2048xi32, #tpu.memory_space<vmem>>, vector<16xi32>,
        %add3A_107 = arith.addi %add3A_98, %get3A_106 : vector<16xi32>
        scf.yield %add3A_107 : vector<16xi32>
      }
      %scan3A_34 = arith.constant 16 : i32
      scf.yield %scan3A_33 : vector<16xi32>
    }
    %reduce_sum3A = arith.constant true
    %reduce_sum3A_18 = vector.broadcast %reduce_sum3A : i1 to vector<16xi1>
    %reduce_sum3A_19 = tpu.scan <sum>, %while3A_17 masked %reduce_sum3A_18 : vector<16xi32>, vector<16xi1> -> vector<16xi32>
    %reduce_sum3A_20 = vector.extract %reduce_sum3A_19[15] : i32 from vector<16xi32>
    %broadcast_in_dim3A_21 = vector.broadcast %reduce_sum3A_20 : i32 to vector<16xi32>
    %swap3A = arith.constant 0 : index
    %swap3A_22 = tpu.vector_load %arg5[%swap3A] {strides = array<i32>} : memref<16xi32, #tpu.memory_space<vmem>>, vector<16xi32>,
    tpu.vector_store %arg5[%swap3A], %broadcast_in_dim3A_21 {strides = array<i32>} : memref<16xi32, #tpu.memory_space<vmem>>, vector<16xi32>,
    %mul3A_23 = arith.constant 8 : i32
    %mul3A_24 = arith.muli %add3A, %mul3A_23 : i32
    "tpu.region"() ({
      %run_scoped3A = tpu.sem_alloc : memref<!tpu.dma_semaphore, #tpu.memory_space<semaphore_mem>>
      %dma_start3A = arith.constant 0 : i32
      %dma_start3A_25 = tpu.memref_slice %arg5[%dma_start3A] : memref<16xi32, #tpu.memory_space<vmem>> -> memref<8xi32, #tpu.memory_space<vmem>>
      %dma_start3A_26 = tpu.memref_slice %arg3[%mul3A_24] : memref<256xi32, #tpu.memory_space<hbm>> -> memref<8xi32, #tpu.memory_space<hbm>>
      %dma_start3A_27 = tpu.memref_slice %arg3[%mul3A_24] : memref<256xi32, #tpu.memory_space<hbm>> -> memref<8xi32, #tpu.memory_space<hbm>>
      %dma_start3A_28 = arith.constant 0 : i32
      %dma_start3A_29 = tpu.memref_slice %arg5[%dma_start3A_28] : memref<16xi32, #tpu.memory_space<vmem>> -> memref<8xi32, #tpu.memory_space<vmem>>
      tpu.enqueue_dma source(%dma_start3A_29 : memref<8xi32, #tpu.memory_space<vmem>>) target(%dma_start3A_27 : memref<8xi32, #tpu.memory_space<hbm>>) target_semaphore(%run_scoped3A : memref<!tpu.dma_semaphore, #tpu.memory_space<semaphore_mem>>)
      %dma_wait3A = arith.constant 0 : i32
      %dma_wait3A_30 = tpu.memref_slice %arg5[%dma_wait3A] : memref<16xi32, #tpu.memory_space<vmem>> -> memref<8xi32, #tpu.memory_space<vmem>>
      %dma_wait3A_31 = tpu.memref_slice %arg3[%mul3A_24] : memref<256xi32, #tpu.memory_space<hbm>> -> memref<8xi32, #tpu.memory_space<hbm>>
      %dma_wait3A_32 = tpu.memref_slice %arg3[%mul3A_24] : memref<256xi32, #tpu.memory_space<hbm>> -> memref<8xi32, #tpu.memory_space<hbm>>
      %dma_wait3A_33 = arith.constant 0 : i32
      %dma_wait3A_34 = tpu.memref_slice %arg5[%dma_wait3A_33] : memref<16xi32, #tpu.memory_space<vmem>> -> memref<8xi32, #tpu.memory_space<vmem>>
      tpu.wait_dma2 semaphore(%run_scoped3A : memref<!tpu.dma_semaphore, #tpu.memory_space<semaphore_mem>>) src(%dma_wait3A_34 : memref<8xi32, #tpu.memory_space<vmem>>) dst(%dma_wait3A_32 : memref<8xi32, #tpu.memory_space<hbm>>)
      tpu.yield
    }) : () -> ()
    return
  }
}

#map = affine_map<(d0, d1) -> (0)>
module attributes {stable_mosaic.version = 14 : i64} {
  func.func @_part_body(%arg0: i32, %arg1: i32, %arg2: memref<6400000xi32, #tpu.memory_space<hbm>>, %arg3: memref<6400000xi32, #tpu.memory_space<hbm>>, %arg4: memref<6400000xi32, #tpu.memory_space<hbm>>, %arg5: memref<25600000xf32, #tpu.memory_space<hbm>>, %arg6: memref<256xi32, #tpu.memory_space<hbm>>, %arg7: memref<6400000xi32, #tpu.memory_space<hbm>>, %arg8: memref<6400000xi32, #tpu.memory_space<hbm>>, %arg9: memref<25600000xf32, #tpu.memory_space<hbm>>, %arg10: memref<8xi32, #tpu.memory_space<hbm>>, %arg11: memref<2048xi32, #tpu.memory_space<vmem>>, %arg12: memref<2048xi32, #tpu.memory_space<vmem>>, %arg13: memref<2048xi32, #tpu.memory_space<vmem>>, %arg14: memref<8192xf32, #tpu.memory_space<vmem>>, %arg15: memref<2048xi32, #tpu.memory_space<vmem>>, %arg16: memref<8192xi32, #tpu.memory_space<vmem>>, %arg17: memref<256xi32, #tpu.memory_space<vmem>>, %arg18: memref<16xi32, #tpu.memory_space<vmem>>, %arg19: memref<!tpu.dma_semaphore, #tpu.memory_space<semaphore_mem>>, %arg20: memref<!tpu.dma_semaphore, #tpu.memory_space<semaphore_mem>>) attributes {dimension_semantics = [#tpu.dimension_semantics<core_parallel>, #tpu.dimension_semantics<subcore_parallel>], iteration_bounds = array<i64: 2, 16>, scalar_prefetch = 0 : i64, scratch_operands = 10 : i64, tpu.core_type = #tpu.core_type<sc_vector_subcore>, window_params = [{transform_indices = #map}, {transform_indices = #map}, {transform_indices = #map}, {transform_indices = #map}, {transform_indices = #map}, {transform_indices = #map}, {transform_indices = #map}, {transform_indices = #map}, {transform_indices = #map}]} {
    %mul3A = arith.constant 2 : i32
    %mul3A_0 = arith.muli %arg1, %mul3A : i32
    %add3A = arith.addi %mul3A_0, %arg0 : i32
    %lt3A = arith.constant 21 : i32
    %lt3A_1 = arith.cmpi slt, %add3A, %lt3A : i32
    %jit3A = arith.constant 98 : i32
    %jit3A_2 = arith.constant 97 : i32
    %select_n3A = arith.select %lt3A_1, %jit3A, %jit3A_2 : i32
    %mul3A_3 = arith.constant 97 : i32
    %mul3A_4 = arith.muli %add3A, %mul3A_3 : i32
    %min3A = arith.constant 21 : i32
    %min3A_5 = arith.minsi %add3A, %min3A : i32
    %add3A_6 = arith.addi %mul3A_4, %min3A_5 : i32
    "tpu.region"() ({
      %run_scoped3A = tpu.sem_alloc : memref<!tpu.dma_semaphore, #tpu.memory_space<semaphore_mem>>
      tpu.enqueue_dma source(%arg6 : memref<256xi32, #tpu.memory_space<hbm>>) target(%arg17 : memref<256xi32, #tpu.memory_space<vmem>>) target_semaphore(%run_scoped3A : memref<!tpu.dma_semaphore, #tpu.memory_space<semaphore_mem>>)
      tpu.wait_dma2 semaphore(%run_scoped3A : memref<!tpu.dma_semaphore, #tpu.memory_space<semaphore_mem>>) src(%arg6 : memref<256xi32, #tpu.memory_space<hbm>>) dst(%arg17 : memref<256xi32, #tpu.memory_space<vmem>>)
      tpu.yield
    }) : () -> ()
    %iota3A = tpu.iota {dimensions = array<i32: 0>} : vector<16xi32>
    %add3A_7 = arith.constant 0 : i32
    %add3A_8 = vector.broadcast %add3A_7 : i32 to vector<16xi32>
    %add3A_9 = arith.addi %iota3A, %add3A_8 : vector<16xi32>
    %mul3A_10 = arith.constant 8 : i32
    %mul3A_11 = vector.broadcast %mul3A_10 : i32 to vector<16xi32>
    %mul3A_12 = arith.muli %add3A_9, %mul3A_11 : vector<16xi32>
    %gather3A = tpu.vector_load_idx %arg17[%mul3A_12] : memref<256xi32, #tpu.memory_space<vmem>>[vector<16xi32>], vector<16xi32>,
    %lt3A_13 = vector.broadcast %add3A : i32 to vector<16xi32>
    %lt3A_14 = arith.cmpi slt, %add3A_9, %lt3A_13 : vector<16xi32>
    %jit3A_15 = arith.constant 0 : i32
    %broadcast_in_dim3A = vector.broadcast %jit3A_15 : i32 to vector<16xi32>
    %select_n3A_16 = arith.select %lt3A_14, %gather3A, %broadcast_in_dim3A : vector<16xi1>, vector<16xi32>
    %reduce_sum3A = arith.constant true
    %reduce_sum3A_17 = vector.broadcast %reduce_sum3A : i1 to vector<16xi1>
    %reduce_sum3A_18 = tpu.scan <sum>, %select_n3A_16 masked %reduce_sum3A_17 : vector<16xi32>, vector<16xi1> -> vector<16xi32>
    %reduce_sum3A_19 = vector.extract %reduce_sum3A_18[15] : i32 from vector<16xi32>
    %add3A_20 = arith.constant 0 : i32
    %add3A_21 = arith.addi %add3A_20, %reduce_sum3A_19 : i32
    %reduce_sum3A_22 = arith.constant true
    %reduce_sum3A_23 = vector.broadcast %reduce_sum3A_22 : i1 to vector<16xi1>
    %reduce_sum3A_24 = tpu.scan <sum>, %gather3A masked %reduce_sum3A_23 : vector<16xi32>, vector<16xi1> -> vector<16xi32>
    %reduce_sum3A_25 = vector.extract %reduce_sum3A_24[15] : i32 from vector<16xi32>
    %add3A_26 = arith.constant 0 : i32
    %add3A_27 = arith.addi %add3A_26, %reduce_sum3A_25 : i32
    %add3A_28 = arith.constant 16 : i32
    %add3A_29 = vector.broadcast %add3A_28 : i32 to vector<16xi32>
    %add3A_30 = arith.addi %iota3A, %add3A_29 : vector<16xi32>
    %mul3A_31 = arith.constant 8 : i32
    %mul3A_32 = vector.broadcast %mul3A_31 : i32 to vector<16xi32>
    %mul3A_33 = arith.muli %add3A_30, %mul3A_32 : vector<16xi32>
    %gather3A_34 = tpu.vector_load_idx %arg17[%mul3A_33] : memref<256xi32, #tpu.memory_space<vmem>>[vector<16xi32>], vector<16xi32>,
    %lt3A_35 = vector.broadcast %add3A : i32 to vector<16xi32>
    %lt3A_36 = arith.cmpi slt, %add3A_30, %lt3A_35 : vector<16xi32>
    %jit3A_37 = arith.constant 0 : i32
    %broadcast_in_dim3A_38 = vector.broadcast %jit3A_37 : i32 to vector<16xi32>
    %select_n3A_39 = arith.select %lt3A_36, %gather3A_34, %broadcast_in_dim3A_38 : vector<16xi1>, vector<16xi32>
    %reduce_sum3A_40 = arith.constant true
    %reduce_sum3A_41 = vector.broadcast %reduce_sum3A_40 : i1 to vector<16xi1>
    %reduce_sum3A_42 = tpu.scan <sum>, %select_n3A_39 masked %reduce_sum3A_41 : vector<16xi32>, vector<16xi1> -> vector<16xi32>
    %reduce_sum3A_43 = vector.extract %reduce_sum3A_42[15] : i32 from vector<16xi32>
    %add3A_44 = arith.addi %add3A_21, %reduce_sum3A_43 : i32
    %reduce_sum3A_45 = arith.constant true
    %reduce_sum3A_46 = vector.broadcast %reduce_sum3A_45 : i1 to vector<16xi1>
    %reduce_sum3A_47 = tpu.scan <sum>, %gather3A_34 masked %reduce_sum3A_46 : vector<16xi32>, vector<16xi1> -> vector<16xi32>
    %reduce_sum3A_48 = vector.extract %reduce_sum3A_47[15] : i32 from vector<16xi32>
    %add3A_49 = arith.addi %add3A_27, %reduce_sum3A_48 : i32
    %sub3A = arith.constant 6400000 : i32
    %sub3A_50 = arith.subi %sub3A, %add3A_49 : i32
    %eq3A = arith.constant 0 : i32
    %eq3A_51 = arith.cmpi eq, %add3A, %eq3A : i32
    %convert_element_type3A = arith.extui %eq3A_51 : i1 to i32
    %cond3A = arith.constant 0 : i32
    %cond3A_52 = arith.cmpi ne, %convert_element_type3A, %cond3A : i32
    scf.if %cond3A_52 {
      %broadcast_in_dim3A_109 = vector.broadcast %add3A_49 : i32 to vector<16xi32>
      %swap3A = arith.constant 0 : index
      %swap3A_110 = tpu.vector_load %arg18[%swap3A] {strides = array<i32>} : memref<16xi32, #tpu.memory_space<vmem>>, vector<16xi32>,
      tpu.vector_store %arg18[%swap3A], %broadcast_in_dim3A_109 {strides = array<i32>} : memref<16xi32, #tpu.memory_space<vmem>>, vector<16xi32>,
      "tpu.region"() ({
        %run_scoped3A = tpu.sem_alloc : memref<!tpu.dma_semaphore, #tpu.memory_space<semaphore_mem>>
        %dma_start3A = arith.constant 0 : i32
        %dma_start3A_111 = tpu.memref_slice %arg18[%dma_start3A] : memref<16xi32, #tpu.memory_space<vmem>> -> memref<8xi32, #tpu.memory_space<vmem>>
        %dma_start3A_112 = arith.constant 0 : i32
        %dma_start3A_113 = tpu.memref_slice %arg18[%dma_start3A_112] : memref<16xi32, #tpu.memory_space<vmem>> -> memref<8xi32, #tpu.memory_space<vmem>>
        tpu.enqueue_dma source(%dma_start3A_113 : memref<8xi32, #tpu.memory_space<vmem>>) target(%arg10 : memref<8xi32, #tpu.memory_space<hbm>>) target_semaphore(%run_scoped3A : memref<!tpu.dma_semaphore, #tpu.memory_space<semaphore_mem>>)
        %dma_wait3A = arith.constant 0 : i32
        %dma_wait3A_114 = tpu.memref_slice %arg18[%dma_wait3A] : memref<16xi32, #tpu.memory_space<vmem>> -> memref<8xi32, #tpu.memory_space<vmem>>
        %dma_wait3A_115 = arith.constant 0 : i32
        %dma_wait3A_116 = tpu.memref_slice %arg18[%dma_wait3A_115] : memref<16xi32, #tpu.memory_space<vmem>> -> memref<8xi32, #tpu.memory_space<vmem>>
        tpu.wait_dma2 semaphore(%run_scoped3A : memref<!tpu.dma_semaphore, #tpu.memory_space<semaphore_mem>>) src(%dma_wait3A_116 : memref<8xi32, #tpu.memory_space<vmem>>) dst(%arg10 : memref<8xi32, #tpu.memory_space<hbm>>)
        tpu.yield
      }) : () -> ()
    } else {
    }
    %jit3A_53 = arith.constant 4 : i32
    %div3A = vector.broadcast %jit3A_53 : i32 to vector<16xi32>
    %div3A_54 = arith.divsi %iota3A, %div3A : vector<16xi32>
    %sign3A = arith.constant 0 : i32
    %sign3A_55 = vector.broadcast %sign3A : i32 to vector<16xi32>
    %sign3A_56 = arith.cmpi sgt, %iota3A, %sign3A_55 : vector<16xi32>
    %sign3A_57 = arith.extui %sign3A_56 : vector<16xi1> to vector<16xi32>
    %sign3A_58 = arith.constant 0 : i32
    %sign3A_59 = vector.broadcast %sign3A_58 : i32 to vector<16xi32>
    %sign3A_60 = arith.cmpi slt, %iota3A, %sign3A_59 : vector<16xi32>
    %sign3A_61 = arith.extui %sign3A_60 : vector<16xi1> to vector<16xi32>
    %sign3A_62 = arith.subi %sign3A_57, %sign3A_61 : vector<16xi32>
    %sign3A_63 = arith.constant 0 : i32
    %sign3A_64 = arith.cmpi sgt, %jit3A_53, %sign3A_63 : i32
    %sign3A_65 = arith.extui %sign3A_64 : i1 to i32
    %sign3A_66 = arith.constant 0 : i32
    %sign3A_67 = arith.cmpi slt, %jit3A_53, %sign3A_66 : i32
    %sign3A_68 = arith.extui %sign3A_67 : i1 to i32
    %sign3A_69 = arith.subi %sign3A_65, %sign3A_68 : i32
    %ne3A = vector.broadcast %sign3A_69 : i32 to vector<16xi32>
    %ne3A_70 = arith.cmpi ne, %sign3A_62, %ne3A : vector<16xi32>
    %rem3A = vector.broadcast %jit3A_53 : i32 to vector<16xi32>
    %rem3A_71 = arith.remsi %iota3A, %rem3A : vector<16xi32>
    %ne3A_72 = arith.constant 0 : i32
    %ne3A_73 = vector.broadcast %ne3A_72 : i32 to vector<16xi32>
    %ne3A_74 = arith.cmpi ne, %rem3A_71, %ne3A_73 : vector<16xi32>
    %and3A = arith.andi %ne3A_70, %ne3A_74 : vector<16xi1>
    %sub3A_75 = arith.constant 1 : i32
    %sub3A_76 = vector.broadcast %sub3A_75 : i32 to vector<16xi32>
    %sub3A_77 = arith.subi %div3A_54, %sub3A_76 : vector<16xi32>
    %select_n3A_78 = arith.select %and3A, %sub3A_77, %div3A_54 : vector<16xi1>, vector<16xi32>
    %jit3A_79 = arith.constant 4 : i32
    %eq3A_80 = arith.constant 0 : i32
    %eq3A_81 = arith.cmpi eq, %jit3A_79, %eq3A_80 : i32
    %jit3A_82 = arith.constant 1 : i32
    %select_n3A_83 = arith.select %eq3A_81, %jit3A_82, %jit3A_79 : i32
    %rem3A_84 = vector.broadcast %select_n3A_83 : i32 to vector<16xi32>
    %rem3A_85 = arith.remsi %iota3A, %rem3A_84 : vector<16xi32>
    %ne3A_86 = arith.constant 0 : i32
    %ne3A_87 = vector.broadcast %ne3A_86 : i32 to vector<16xi32>
    %ne3A_88 = arith.cmpi ne, %rem3A_85, %ne3A_87 : vector<16xi32>
    %lt3A_89 = arith.constant 0 : i32
    %lt3A_90 = vector.broadcast %lt3A_89 : i32 to vector<16xi32>
    %lt3A_91 = arith.cmpi slt, %rem3A_85, %lt3A_90 : vector<16xi32>
    %lt3A_92 = arith.constant 0 : i32
    %lt3A_93 = arith.cmpi slt, %select_n3A_83, %lt3A_92 : i32
    %ne3A_94 = vector.broadcast %lt3A_93 : i1 to vector<16xi1>
    %ne3A_95 = vector.broadcast %ne3A_94 : vector<16xi1> to vector<16xi1>
    %ne3A_96 = arith.xori %lt3A_91, %ne3A_95 : vector<16xi1>
    %and3A_97 = arith.andi %ne3A_96, %ne3A_88 : vector<16xi1>
    %add3A_98 = vector.broadcast %select_n3A_83 : i32 to vector<16xi32>
    %add3A_99 = arith.addi %rem3A_85, %add3A_98 : vector<16xi32>
    %select_n3A_100 = arith.select %and3A_97, %add3A_99, %rem3A_85 : vector<16xi1>, vector<16xi32>
    %while3A = arith.constant 0 : i32
    %while3A_101 = arith.subi %select_n3A, %while3A : i32
    %while3A_102 = arith.addi %while3A, %while3A_101 : i32
    %while3A_103 = arith.constant 1 : i32
    %while3A_104 = arith.divsi %while3A_101, %while3A_103 : i32
    %while3A_105 = arith.muli %while3A_104, %while3A_103 : i32
    %while3A_106 = arith.addi %while3A, %while3A_105 : i32
    %while3A_107 = arith.constant 1 : i32
    scf.for %while3A_109 = %while3A to %while3A_106 step %while3A_107  : i32 {
      %add3A_110 = arith.addi %add3A_6, %while3A_109 : i32
      %mul3A_111 = arith.constant 2048 : i32
      %mul3A_112 = arith.muli %add3A_110, %mul3A_111 : i32
      "tpu.region"() ({
        %run_scoped3A = tpu.sem_alloc : memref<!tpu.dma_semaphore, #tpu.memory_space<semaphore_mem>>
        %dma_start3A_139 = tpu.memref_slice %arg2[%mul3A_112] : memref<6400000xi32, #tpu.memory_space<hbm>> -> memref<2048xi32, #tpu.memory_space<hbm>>
        %dma_start3A_140 = tpu.memref_slice %arg2[%mul3A_112] : memref<6400000xi32, #tpu.memory_space<hbm>> -> memref<2048xi32, #tpu.memory_space<hbm>>
        tpu.enqueue_dma source(%dma_start3A_140 : memref<2048xi32, #tpu.memory_space<hbm>>) target(%arg11 : memref<2048xi32, #tpu.memory_space<vmem>>) target_semaphore(%run_scoped3A : memref<!tpu.dma_semaphore, #tpu.memory_space<semaphore_mem>>)
        %dma_wait3A_141 = tpu.memref_slice %arg2[%mul3A_112] : memref<6400000xi32, #tpu.memory_space<hbm>> -> memref<2048xi32, #tpu.memory_space<hbm>>
        %dma_wait3A_142 = tpu.memref_slice %arg2[%mul3A_112] : memref<6400000xi32, #tpu.memory_space<hbm>> -> memref<2048xi32, #tpu.memory_space<hbm>>
        tpu.wait_dma2 semaphore(%run_scoped3A : memref<!tpu.dma_semaphore, #tpu.memory_space<semaphore_mem>>) src(%dma_wait3A_142 : memref<2048xi32, #tpu.memory_space<hbm>>) dst(%arg11 : memref<2048xi32, #tpu.memory_space<vmem>>)
        tpu.yield
      }) : () -> ()
      %dma_start3A = tpu.memref_slice %arg3[%mul3A_112] : memref<6400000xi32, #tpu.memory_space<hbm>> -> memref<2048xi32, #tpu.memory_space<hbm>>
      %dma_start3A_113 = tpu.memref_slice %arg3[%mul3A_112] : memref<6400000xi32, #tpu.memory_space<hbm>> -> memref<2048xi32, #tpu.memory_space<hbm>>
      tpu.enqueue_dma source(%dma_start3A_113 : memref<2048xi32, #tpu.memory_space<hbm>>) target(%arg12 : memref<2048xi32, #tpu.memory_space<vmem>>) target_semaphore(%arg19 : memref<!tpu.dma_semaphore, #tpu.memory_space<semaphore_mem>>)
      %dma_start3A_114 = tpu.memref_slice %arg4[%mul3A_112] : memref<6400000xi32, #tpu.memory_space<hbm>> -> memref<2048xi32, #tpu.memory_space<hbm>>
      %dma_start3A_115 = tpu.memref_slice %arg4[%mul3A_112] : memref<6400000xi32, #tpu.memory_space<hbm>> -> memref<2048xi32, #tpu.memory_space<hbm>>
      tpu.enqueue_dma source(%dma_start3A_115 : memref<2048xi32, #tpu.memory_space<hbm>>) target(%arg13 : memref<2048xi32, #tpu.memory_space<vmem>>) target_semaphore(%arg19 : memref<!tpu.dma_semaphore, #tpu.memory_space<semaphore_mem>>)
      %mul3A_116 = arith.constant 4 : i32
      %mul3A_117 = arith.muli %mul3A_112, %mul3A_116 : i32
      %dma_start3A_118 = tpu.memref_slice %arg5[%mul3A_117] : memref<25600000xf32, #tpu.memory_space<hbm>> -> memref<8192xf32, #tpu.memory_space<hbm>>
      %dma_start3A_119 = tpu.memref_slice %arg5[%mul3A_117] : memref<25600000xf32, #tpu.memory_space<hbm>> -> memref<8192xf32, #tpu.memory_space<hbm>>
      tpu.enqueue_dma source(%dma_start3A_119 : memref<8192xf32, #tpu.memory_space<hbm>>) target(%arg14 : memref<8192xf32, #tpu.memory_space<vmem>>) target_semaphore(%arg19 : memref<!tpu.dma_semaphore, #tpu.memory_space<semaphore_mem>>)
      %dma_wait3A = tpu.memref_slice %arg3[%mul3A_112] : memref<6400000xi32, #tpu.memory_space<hbm>> -> memref<2048xi32, #tpu.memory_space<hbm>>
      %dma_wait3A_120 = tpu.memref_slice %arg3[%mul3A_112] : memref<6400000xi32, #tpu.memory_space<hbm>> -> memref<2048xi32, #tpu.memory_space<hbm>>
      tpu.wait_dma2 semaphore(%arg19 : memref<!tpu.dma_semaphore, #tpu.memory_space<semaphore_mem>>) src(%dma_wait3A_120 : memref<2048xi32, #tpu.memory_space<hbm>>) dst(%arg12 : memref<2048xi32, #tpu.memory_space<vmem>>)
      %dma_wait3A_121 = tpu.memref_slice %arg4[%mul3A_112] : memref<6400000xi32, #tpu.memory_space<hbm>> -> memref<2048xi32, #tpu.memory_space<hbm>>
      %dma_wait3A_122 = tpu.memref_slice %arg4[%mul3A_112] : memref<6400000xi32, #tpu.memory_space<hbm>> -> memref<2048xi32, #tpu.memory_space<hbm>>
      tpu.wait_dma2 semaphore(%arg19 : memref<!tpu.dma_semaphore, #tpu.memory_space<semaphore_mem>>) src(%dma_wait3A_122 : memref<2048xi32, #tpu.memory_space<hbm>>) dst(%arg13 : memref<2048xi32, #tpu.memory_space<vmem>>)
      %dma_wait3A_123 = tpu.memref_slice %arg5[%mul3A_117] : memref<25600000xf32, #tpu.memory_space<hbm>> -> memref<8192xf32, #tpu.memory_space<hbm>>
      %dma_wait3A_124 = tpu.memref_slice %arg5[%mul3A_117] : memref<25600000xf32, #tpu.memory_space<hbm>> -> memref<8192xf32, #tpu.memory_space<hbm>>
      tpu.wait_dma2 semaphore(%arg19 : memref<!tpu.dma_semaphore, #tpu.memory_space<semaphore_mem>>) src(%dma_wait3A_124 : memref<8192xf32, #tpu.memory_space<hbm>>) dst(%arg14 : memref<8192xf32, #tpu.memory_space<vmem>>)
      %dma_start3A_125 = tpu.memref_slice %arg7[%mul3A_112] : memref<6400000xi32, #tpu.memory_space<hbm>> -> memref<2048xi32, #tpu.memory_space<hbm>>
      %dma_start3A_126 = tpu.memref_slice %arg7[%mul3A_112] : memref<6400000xi32, #tpu.memory_space<hbm>> -> memref<2048xi32, #tpu.memory_space<hbm>>
      tpu.enqueue_dma source(%arg12 : memref<2048xi32, #tpu.memory_space<vmem>>) target(%dma_start3A_126 : memref<2048xi32, #tpu.memory_space<hbm>>) target_semaphore(%arg20 : memref<!tpu.dma_semaphore, #tpu.memory_space<semaphore_mem>>)
      %dma_start3A_127 = tpu.memref_slice %arg8[%mul3A_112] : memref<6400000xi32, #tpu.memory_space<hbm>> -> memref<2048xi32, #tpu.memory_space<hbm>>
      %dma_start3A_128 = tpu.memref_slice %arg8[%mul3A_112] : memref<6400000xi32, #tpu.memory_space<hbm>> -> memref<2048xi32, #tpu.memory_space<hbm>>
      tpu.enqueue_dma source(%arg13 : memref<2048xi32, #tpu.memory_space<vmem>>) target(%dma_start3A_128 : memref<2048xi32, #tpu.memory_space<hbm>>) target_semaphore(%arg20 : memref<!tpu.dma_semaphore, #tpu.memory_space<semaphore_mem>>)
      %mul3A_129 = arith.constant 4 : i32
      %mul3A_130 = arith.muli %mul3A_112, %mul3A_129 : i32
      %dma_start3A_131 = tpu.memref_slice %arg9[%mul3A_130] : memref<25600000xf32, #tpu.memory_space<hbm>> -> memref<8192xf32, #tpu.memory_space<hbm>>
      %dma_start3A_132 = tpu.memref_slice %arg9[%mul3A_130] : memref<25600000xf32, #tpu.memory_space<hbm>> -> memref<8192xf32, #tpu.memory_space<hbm>>
      tpu.enqueue_dma source(%arg14 : memref<8192xf32, #tpu.memory_space<vmem>>) target(%dma_start3A_132 : memref<8192xf32, #tpu.memory_space<hbm>>) target_semaphore(%arg20 : memref<!tpu.dma_semaphore, #tpu.memory_space<semaphore_mem>>)
      %dma_wait3A_133 = tpu.memref_slice %arg7[%mul3A_112] : memref<6400000xi32, #tpu.memory_space<hbm>> -> memref<2048xi32, #tpu.memory_space<hbm>>
      %dma_wait3A_134 = tpu.memref_slice %arg7[%mul3A_112] : memref<6400000xi32, #tpu.memory_space<hbm>> -> memref<2048xi32, #tpu.memory_space<hbm>>
      tpu.wait_dma2 semaphore(%arg20 : memref<!tpu.dma_semaphore, #tpu.memory_space<semaphore_mem>>) src(%arg12 : memref<2048xi32, #tpu.memory_space<vmem>>) dst(%dma_wait3A_134 : memref<2048xi32, #tpu.memory_space<hbm>>)
      %dma_wait3A_135 = tpu.memref_slice %arg8[%mul3A_112] : memref<6400000xi32, #tpu.memory_space<hbm>> -> memref<2048xi32, #tpu.memory_space<hbm>>
      %dma_wait3A_136 = tpu.memref_slice %arg8[%mul3A_112] : memref<6400000xi32, #tpu.memory_space<hbm>> -> memref<2048xi32, #tpu.memory_space<hbm>>
      tpu.wait_dma2 semaphore(%arg20 : memref<!tpu.dma_semaphore, #tpu.memory_space<semaphore_mem>>) src(%arg13 : memref<2048xi32, #tpu.memory_space<vmem>>) dst(%dma_wait3A_136 : memref<2048xi32, #tpu.memory_space<hbm>>)
      %dma_wait3A_137 = tpu.memref_slice %arg9[%mul3A_130] : memref<25600000xf32, #tpu.memory_space<hbm>> -> memref<8192xf32, #tpu.memory_space<hbm>>
      %dma_wait3A_138 = tpu.memref_slice %arg9[%mul3A_130] : memref<25600000xf32, #tpu.memory_space<hbm>> -> memref<8192xf32, #tpu.memory_space<hbm>>
      tpu.wait_dma2 semaphore(%arg20 : memref<!tpu.dma_semaphore, #tpu.memory_space<semaphore_mem>>) src(%arg14 : memref<8192xf32, #tpu.memory_space<vmem>>) dst(%dma_wait3A_138 : memref<8192xf32, #tpu.memory_space<hbm>>)
    }
    %while3A_108 = arith.constant 1 : i32
    scf.for %while3A_109 = %while3A_106 to %while3A_102 step %while3A_108  : i32 {
      %add3A_110 = arith.addi %add3A_6, %while3A_109 : i32
      %mul3A_111 = arith.constant 2048 : i32
      %mul3A_112 = arith.muli %add3A_110, %mul3A_111 : i32
      "tpu.region"() ({
        %run_scoped3A = tpu.sem_alloc : memref<!tpu.dma_semaphore, #tpu.memory_space<semaphore_mem>>
        %dma_start3A_139 = tpu.memref_slice %arg2[%mul3A_112] : memref<6400000xi32, #tpu.memory_space<hbm>> -> memref<2048xi32, #tpu.memory_space<hbm>>
        %dma_start3A_140 = tpu.memref_slice %arg2[%mul3A_112] : memref<6400000xi32, #tpu.memory_space<hbm>> -> memref<2048xi32, #tpu.memory_space<hbm>>
        tpu.enqueue_dma source(%dma_start3A_140 : memref<2048xi32, #tpu.memory_space<hbm>>) target(%arg11 : memref<2048xi32, #tpu.memory_space<vmem>>) target_semaphore(%run_scoped3A : memref<!tpu.dma_semaphore, #tpu.memory_space<semaphore_mem>>)
        %dma_wait3A_141 = tpu.memref_slice %arg2[%mul3A_112] : memref<6400000xi32, #tpu.memory_space<hbm>> -> memref<2048xi32, #tpu.memory_space<hbm>>
        %dma_wait3A_142 = tpu.memref_slice %arg2[%mul3A_112] : memref<6400000xi32, #tpu.memory_space<hbm>> -> memref<2048xi32, #tpu.memory_space<hbm>>
        tpu.wait_dma2 semaphore(%run_scoped3A : memref<!tpu.dma_semaphore, #tpu.memory_space<semaphore_mem>>) src(%dma_wait3A_142 : memref<2048xi32, #tpu.memory_space<hbm>>) dst(%arg11 : memref<2048xi32, #tpu.memory_space<vmem>>)
        tpu.yield
      }) : () -> ()
      %dma_start3A = tpu.memref_slice %arg3[%mul3A_112] : memref<6400000xi32, #tpu.memory_space<hbm>> -> memref<2048xi32, #tpu.memory_space<hbm>>
      %dma_start3A_113 = tpu.memref_slice %arg3[%mul3A_112] : memref<6400000xi32, #tpu.memory_space<hbm>> -> memref<2048xi32, #tpu.memory_space<hbm>>
      tpu.enqueue_dma source(%dma_start3A_113 : memref<2048xi32, #tpu.memory_space<hbm>>) target(%arg12 : memref<2048xi32, #tpu.memory_space<vmem>>) target_semaphore(%arg19 : memref<!tpu.dma_semaphore, #tpu.memory_space<semaphore_mem>>)
      %dma_start3A_114 = tpu.memref_slice %arg4[%mul3A_112] : memref<6400000xi32, #tpu.memory_space<hbm>> -> memref<2048xi32, #tpu.memory_space<hbm>>
      %dma_start3A_115 = tpu.memref_slice %arg4[%mul3A_112] : memref<6400000xi32, #tpu.memory_space<hbm>> -> memref<2048xi32, #tpu.memory_space<hbm>>
      tpu.enqueue_dma source(%dma_start3A_115 : memref<2048xi32, #tpu.memory_space<hbm>>) target(%arg13 : memref<2048xi32, #tpu.memory_space<vmem>>) target_semaphore(%arg19 : memref<!tpu.dma_semaphore, #tpu.memory_space<semaphore_mem>>)
      %mul3A_116 = arith.constant 4 : i32
      %mul3A_117 = arith.muli %mul3A_112, %mul3A_116 : i32
      %dma_start3A_118 = tpu.memref_slice %arg5[%mul3A_117] : memref<25600000xf32, #tpu.memory_space<hbm>> -> memref<8192xf32, #tpu.memory_space<hbm>>
      %dma_start3A_119 = tpu.memref_slice %arg5[%mul3A_117] : memref<25600000xf32, #tpu.memory_space<hbm>> -> memref<8192xf32, #tpu.memory_space<hbm>>
      tpu.enqueue_dma source(%dma_start3A_119 : memref<8192xf32, #tpu.memory_space<hbm>>) target(%arg14 : memref<8192xf32, #tpu.memory_space<vmem>>) target_semaphore(%arg19 : memref<!tpu.dma_semaphore, #tpu.memory_space<semaphore_mem>>)
      %dma_wait3A = tpu.memref_slice %arg3[%mul3A_112] : memref<6400000xi32, #tpu.memory_space<hbm>> -> memref<2048xi32, #tpu.memory_space<hbm>>
      %dma_wait3A_120 = tpu.memref_slice %arg3[%mul3A_112] : memref<6400000xi32, #tpu.memory_space<hbm>> -> memref<2048xi32, #tpu.memory_space<hbm>>
      tpu.wait_dma2 semaphore(%arg19 : memref<!tpu.dma_semaphore, #tpu.memory_space<semaphore_mem>>) src(%dma_wait3A_120 : memref<2048xi32, #tpu.memory_space<hbm>>) dst(%arg12 : memref<2048xi32, #tpu.memory_space<vmem>>)
      %dma_wait3A_121 = tpu.memref_slice %arg4[%mul3A_112] : memref<6400000xi32, #tpu.memory_space<hbm>> -> memref<2048xi32, #tpu.memory_space<hbm>>
      %dma_wait3A_122 = tpu.memref_slice %arg4[%mul3A_112] : memref<6400000xi32, #tpu.memory_space<hbm>> -> memref<2048xi32, #tpu.memory_space<hbm>>
      tpu.wait_dma2 semaphore(%arg19 : memref<!tpu.dma_semaphore, #tpu.memory_space<semaphore_mem>>) src(%dma_wait3A_122 : memref<2048xi32, #tpu.memory_space<hbm>>) dst(%arg13 : memref<2048xi32, #tpu.memory_space<vmem>>)
      %dma_wait3A_123 = tpu.memref_slice %arg5[%mul3A_117] : memref<25600000xf32, #tpu.memory_space<hbm>> -> memref<8192xf32, #tpu.memory_space<hbm>>
      %dma_wait3A_124 = tpu.memref_slice %arg5[%mul3A_117] : memref<25600000xf32, #tpu.memory_space<hbm>> -> memref<8192xf32, #tpu.memory_space<hbm>>
      tpu.wait_dma2 semaphore(%arg19 : memref<!tpu.dma_semaphore, #tpu.memory_space<semaphore_mem>>) src(%dma_wait3A_124 : memref<8192xf32, #tpu.memory_space<hbm>>) dst(%arg14 : memref<8192xf32, #tpu.memory_space<vmem>>)
      %dma_start3A_125 = tpu.memref_slice %arg7[%mul3A_112] : memref<6400000xi32, #tpu.memory_space<hbm>> -> memref<2048xi32, #tpu.memory_space<hbm>>
      %dma_start3A_126 = tpu.memref_slice %arg7[%mul3A_112] : memref<6400000xi32, #tpu.memory_space<hbm>> -> memref<2048xi32, #tpu.memory_space<hbm>>
      tpu.enqueue_dma source(%arg12 : memref<2048xi32, #tpu.memory_space<vmem>>) target(%dma_start3A_126 : memref<2048xi32, #tpu.memory_space<hbm>>) target_semaphore(%arg20 : memref<!tpu.dma_semaphore, #tpu.memory_space<semaphore_mem>>)
      %dma_start3A_127 = tpu.memref_slice %arg8[%mul3A_112] : memref<6400000xi32, #tpu.memory_space<hbm>> -> memref<2048xi32, #tpu.memory_space<hbm>>
      %dma_start3A_128 = tpu.memref_slice %arg8[%mul3A_112] : memref<6400000xi32, #tpu.memory_space<hbm>> -> memref<2048xi32, #tpu.memory_space<hbm>>
      tpu.enqueue_dma source(%arg13 : memref<2048xi32, #tpu.memory_space<vmem>>) target(%dma_start3A_128 : memref<2048xi32, #tpu.memory_space<hbm>>) target_semaphore(%arg20 : memref<!tpu.dma_semaphore, #tpu.memory_space<semaphore_mem>>)
      %mul3A_129 = arith.constant 4 : i32
      %mul3A_130 = arith.muli %mul3A_112, %mul3A_129 : i32
      %dma_start3A_131 = tpu.memref_slice %arg9[%mul3A_130] : memref<25600000xf32, #tpu.memory_space<hbm>> -> memref<8192xf32, #tpu.memory_space<hbm>>
      %dma_start3A_132 = tpu.memref_slice %arg9[%mul3A_130] : memref<25600000xf32, #tpu.memory_space<hbm>> -> memref<8192xf32, #tpu.memory_space<hbm>>
      tpu.enqueue_dma source(%arg14 : memref<8192xf32, #tpu.memory_space<vmem>>) target(%dma_start3A_132 : memref<8192xf32, #tpu.memory_space<hbm>>) target_semaphore(%arg20 : memref<!tpu.dma_semaphore, #tpu.memory_space<semaphore_mem>>)
      %dma_wait3A_133 = tpu.memref_slice %arg7[%mul3A_112] : memref<6400000xi32, #tpu.memory_space<hbm>> -> memref<2048xi32, #tpu.memory_space<hbm>>
      %dma_wait3A_134 = tpu.memref_slice %arg7[%mul3A_112] : memref<6400000xi32, #tpu.memory_space<hbm>> -> memref<2048xi32, #tpu.memory_space<hbm>>
      tpu.wait_dma2 semaphore(%arg20 : memref<!tpu.dma_semaphore, #tpu.memory_space<semaphore_mem>>) src(%arg12 : memref<2048xi32, #tpu.memory_space<vmem>>) dst(%dma_wait3A_134 : memref<2048xi32, #tpu.memory_space<hbm>>)
      %dma_wait3A_135 = tpu.memref_slice %arg8[%mul3A_112] : memref<6400000xi32, #tpu.memory_space<hbm>> -> memref<2048xi32, #tpu.memory_space<hbm>>
      %dma_wait3A_136 = tpu.memref_slice %arg8[%mul3A_112] : memref<6400000xi32, #tpu.memory_space<hbm>> -> memref<2048xi32, #tpu.memory_space<hbm>>
      tpu.wait_dma2 semaphore(%arg20 : memref<!tpu.dma_semaphore, #tpu.memory_space<semaphore_mem>>) src(%arg13 : memref<2048xi32, #tpu.memory_space<vmem>>) dst(%dma_wait3A_136 : memref<2048xi32, #tpu.memory_space<hbm>>)
      %dma_wait3A_137 = tpu.memref_slice %arg9[%mul3A_130] : memref<25600000xf32, #tpu.memory_space<hbm>> -> memref<8192xf32, #tpu.memory_space<hbm>>
      %dma_wait3A_138 = tpu.memref_slice %arg9[%mul3A_130] : memref<25600000xf32, #tpu.memory_space<hbm>> -> memref<8192xf32, #tpu.memory_space<hbm>>
      tpu.wait_dma2 semaphore(%arg20 : memref<!tpu.dma_semaphore, #tpu.memory_space<semaphore_mem>>) src(%arg14 : memref<8192xf32, #tpu.memory_space<vmem>>) dst(%dma_wait3A_138 : memref<8192xf32, #tpu.memory_space<hbm>>)
    }
    return
  }
}

</mosaic_0001>

<sc_bundles>
// kernel: kernel.4.cloned.1.call-start
scs
__scs_entry_jumppad:
0x0: {  	(pc) =	sbr.rel $0x88, $3  }
0x1: {  	(tag) =	ssettag $0x0;
	lr =	simm.s32 $0x1  }
0x2: {  	[smem:$0x3F9E] =	sst lr;
	_ =	strace $0xD0000000  }
0x3: {  	_ = 	snop  }
0x4: {  	_ = 	snop  }
0x5: {  	_ = 	snop  }
0x6: {  	_ = 	snop  }
0x7: {  	_ = 	snop  }
__scs_overlays_trampoline_lowered:
0x8: {  	[smem:$0x3FAD] =	sst s0  }
0x9: {  	[smem:$0x3FAE] =	sst s1  }
0xa: {  	[smem:$0x3FAF] =	sst s2  }
0xb: {  	[smem:$0x3FB0] =	sst s3  }
0xc: {  	[smem:$0x3FB1] =	sst s4  }
0xd: {  	[smem:$0x3FB2] =	sst s5  }
0xe: {  	[smem:$0x3FB3] =	sst s6  }
0xf: {  	[smem:$0x3FB4] =	sst s7  }
0x10: {  	[smem:$0x3FB5] =	sst s8  }
0x11: {  	[smem:$0x3FB6] =	sst s9;
	s0 =	simm.s32 @!p0 $0x0  }
0x12: {  	s1 =	sld [smem:$0x3F9C];
	s0 =	simm.s32 @p0 $0x1  }
0x13: {  	[smem:$0x3FB7] =	sst s0;
	s0 =	simm.s32 @!p1 $0x0  }
0x14: {  	s2 =	sld [smem:$0x3F9B];
	s0 =	simm.s32 @p1 $0x1  }
0x15: {  	[smem:$0x3FB8] =	sst s0;
	s0 =	simm.s32 @!p2 $0x0  }
0x16: {  	s3 =	sld [smem:$0x3FDB];
	s0 =	simm.s32 @p2 $0x1  }
0x17: {  	s4 =	simm.s32 $0x1BF5;
	[smem:$0x3FBA] =	sst s0  }
0x18: {  	s0 =	sld [smem:$0x3F9D];
	_ =	swait.ge [sflag:s4], $0x0  }
0x19: {  	s7 =	sld [smem:$0x3F9E]  }
0x1a: {  	s8 =	sadd.s32 $0xFFFFE003, lr  }
0x1b: {  	s9 =	sadd.s32 $0xFFFFFEF7, lr;
	s5 =	simm.s32 $0xFFFFFFFF;
	p2 =	slt.u32 s8, $0xFFFFF086  }
0x1c: {  	p1 =	slt.u32 s9, $0xF7A;
	s5 =	simm.s32 @!p2 $0x0  }
0x1d: {  	s5 =	simm.s32 @p1 $0x1;
	p0 =	seq.s32 s7, s2  }
0x1e: {  	s7 =	smul.u32 @!p0 $0xF7A, s2;
	p2 =	seq.s32 @!p0 s5, $0x0  }
0x1f: {  	s9 =	smul.u32 $0xF7A, s1;
	s8 =	simm.s32 @!p0 $0x1BF5;
	p2 =	por !p2, p0  }
0x20: {  	[sflag:s8] =	ssyncset.s32 @!p0 $0xFFFFF086;
	s6 =	sadd.s32 @!p0 s3, s7;
	s7 =	simm.s32 @!p0 $0x108  }
0x21: {  	s3 =	sadd.s32 s3, s9;
	s6 =	sadd.s32 @!p0 $0x88, s6;
	s7 =	simm.s32 @p2 $0x1082  }
0x22: {  	[simem:s7], [sflag:s8] =	dma.local @!p0 [hbm:s6], $0xF7A  }
0x23: {  	s9 =	sor.u32 $0xD0000000, s2;
	s6 =	simm.s32 $0x108;
	_ =	swait.ge @!p0 [sflag:s8], $0x0  }
0x24: {  	s3 =	sadd.s32 $0x88, s3;
	s6 =	simm.s32 @!p1 $0x1082;
	[sflag:s4] =	ssyncset.s32 $0xFFFFF086  }
0x25: {  	[simem:s6], [sflag:s4] =	dma.local [hbm:s3], $0xF7A  }
0x26: {  	[smem:$0x3F9E] =	sst s1;
	(tag) =	ssettag s2;
	_ =	strace s9  }
0x27: {  	s1 =	sld [smem:$0x3FAE]  }
0x28: {  	s2 =	sld [smem:$0x3FAF]  }
0x29: {  	s4 =	sld [smem:$0x3FB1]  }
0x2a: {  	p0 =	seq.s32 s5, $0x0;
	s5 =	sld [smem:$0x3FB2]  }
0x2b: {  	s6 =	sld [smem:$0x3FB3]  }
0x2c: {  	s7 =	sld [smem:$0x3FB4]  }
0x2d: {  	s3 =	simm.s32 $0x108;
	s8 =	sld [smem:$0x3FB5]  }
0x2e: {  	s3 =	simm.s32 @!p0 $0x1082;
	s9 =	sld [smem:$0x3FB6]  }
0x2f: {  	lr =	sadd.s32 s0, s3;
	s0 =	sld [smem:$0x3FAD]  }
0x30: {  	s3 =	sld [smem:$0x3FB0]  }
0x31: {  	[smem:$0x3FB9] =	sst s10  }
0x32: {  	s10 =	sld [smem:$0x3FB7];
	_ =	sdelay $0x3  }
0x33: {  	p0 =	seq.s32 s10, $0x1;
	s10 =	sld [smem:$0x3FB9];
	_ =	sdelay $0x3  }
0x34: {  	[smem:$0x3FB9] =	sst s10  }
0x35: {  	s10 =	sld [smem:$0x3FB8];
	_ =	sdelay $0x3  }
0x36: {  	p1 =	seq.s32 s10, $0x1;
	s10 =	sld [smem:$0x3FB9];
	_ =	sdelay $0x3  }
0x37: {  	[smem:$0x3FB9] =	sst s10  }
0x38: {  	s10 =	sld [smem:$0x3FBA]  }
0x39: {  	_ = 	snop;
	(pc) =	sbr.ind lr, $3  }
0x3a: {  	_ = 	snop  }
0x3b: {  	_ = 	snop  }
0x3c: {  	p2 =	seq.s32 s10, $0x1;
	s10 =	sld [smem:$0x3FB9]  }
0x3d: {  	_ =	shalt  }
0x3e: {  	_ =	shalt  }
0x3f: {  	_ =	shalt  }
0x40: {  	_ =	shalt  }
0x41: {  	_ =	shalt  }
0x42: {  	_ =	shalt  }
0x43: {  	_ =	shalt  }
0x44: {  	_ =	shalt  }
0x45: {  	_ =	shalt  }
0x46: {  	_ =	shalt  }
0x47: {  	_ =	shalt  }
0x48: {  	_ =	shalt  }
0x49: {  	_ =	shalt  }
0x4a: {  	_ =	shalt  }
0x4b: {  	_ =	shalt  }
0x4c: {  	_ =	shalt  }
0x4d: {  	_ =	shalt  }
0x4e: {  	_ =	shalt  }
0x4f: {  	_ =	shalt  }
0x50: {  	_ =	shalt  }
0x51: {  	_ =	shalt  }
0x52: {  	_ =	shalt  }
0x53: {  	_ =	shalt  }
0x54: {  	_ =	shalt  }
0x55: {  	_ =	shalt  }
0x56: {  	_ =	shalt  }
0x57: {  	_ =	shalt  }
0x58: {  	_ =	shalt  }
0x59: {  	_ =	shalt  }
0x5a: {  	_ =	shalt  }
0x5b: {  	_ =	shalt  }
0x5c: {  	_ =	shalt  }
0x5d: {  	_ =	shalt  }
0x5e: {  	_ =	shalt  }
0x5f: {  	_ =	shalt  }
0x60: {  	_ =	shalt  }
0x61: {  	_ =	shalt  }
0x62: {  	_ =	shalt  }
0x63: {  	_ =	shalt  }
0x64: {  	_ =	shalt  }
0x65: {  	_ =	shalt  }
0x66: {  	_ =	shalt  }
0x67: {  	_ =	shalt  }
0x68: {  	_ =	shalt  }
0x69: {  	_ =	shalt  }
0x6a: {  	_ =	shalt  }
0x6b: {  	_ =	shalt  }
0x6c: {  	_ =	shalt  }
0x6d: {  	_ =	shalt  }
0x6e: {  	_ =	shalt  }
0x6f: {  	_ =	shalt  }
0x70: {  	_ =	shalt  }
0x71: {  	_ =	shalt  }
0x72: {  	_ =	shalt  }
0x73: {  	_ =	shalt  }
0x74: {  	_ =	shalt  }
0x75: {  	_ =	shalt  }
0x76: {  	_ =	shalt  }
0x77: {  	_ =	shalt  }
0x78: {  	_ =	shalt  }
0x79: {  	_ =	shalt  }
0x7a: {  	_ =	shalt  }
0x7b: {  	_ =	shalt  }
0x7c: {  	_ =	shalt  }
0x7d: {  	_ =	shalt  }
0x7e: {  	_ =	shalt  }
0x7f: {  	_ =	shalt  }
0x80: {  	_ =	shalt  }
0x81: {  	_ =	shalt  }
0x82: {  	_ =	shalt  }
0x83: {  	_ =	shalt  }
0x84: {  	_ =	shalt  }
0x85: {  	_ =	shalt  }
0x86: {  	_ =	shalt  }
0x87: {  	_ =	shalt  }
.Lfunc_end0:
.L_simem_size_0:
called_computation.1_lowered:
.L_overlay_start_0:
0x88: {  	s2 =	sld [smem:$0x3FD9]  }
0x89: {  	s3 =	sld [smem:$0x3FFE];
	_ =	sdelay $0x1  }
0x8a: {  	s1 =	srdreg.scid  }
0x8b: {  	s0 =	sand.u32 $0x1, s1  }
0x8c: {  	s14 =	sshll.u32 s0, $0xA;
	s2 =	sadd.s32 s3, s2  }
0x8d: {  	s2 =	sadd.s32 s2, s14  }
0x8e: {  	[smem:$0x3FC5] =	sst s2  }
0x8f: {  	_ = 	snop  }
0x90: {  	s2 =	sld [smem:$0x3FD0];
	_ =	sdelay $0x2  }
0x91: {  	s15 =	simm.s32 $0xA;
	s4 =	simm.s32 $0x10  }
0x92: {  	[smem:s4], [sflag:s15] =	dma.local [hbm:s2], $0x1  }
0x93: {  	_ =	swait.eq [sflag:s15], $0x1  }
0x94: {  	[sflag:s15] =	ssyncset.done $0x0  }
0x95: {  	[sflag:s15] =	ssyncadd.s32 $0xFFFFFFFF  }
0x96: {  	s16 =	sld [smem:$0x10];
	(tm) =	ssettm $0x1  }
0x97: {  	s17 =	sld [smem:$0x3FFB];
	_ =	sdelay $0x3  }
0x98: {  	_ =	strace s17  }
0x99: {  	s3 =	sld [smem:$0x3FFC];
	_ =	sdelay $0x3  }
0x9a: {  	_ =	strace s3  }
0x9b: {  	s3 =	sld [smem:$0x3FFD];
	_ =	sdelay $0x3  }
0x9c: {  	_ =	strace s3  }
0x9d: {  	_ =	strace $0x8FFFFFFF  }
0x9e: {  	s18 =	sld [smem:$0x3FDB];
	_ =	sdelay $0x1  }
0x9f: {  	s19 =	simm.s32 $_scs_section_size  }
0xa0: {  	s5 =	simm.s32 $_size__tile_overlayer_lowered;
	s6 =	simm.s32 $_tile_overlayer_lowered  }
0xa1: {  	s22 =	simm.s32 $0x1BFF;
	s21 =	sshll.u32 s6, $0x1;
	s3 =	sadd.s32 s19, s18  }
0xa2: {  	s7 =	simm.s32 $0x0;
	s20 =	sshll.u32 s5, $0x1;
	s5 =	sadd.s32 s21, s3  }
0xa3: {  	[timem:s7], [sflag:s22] =	dma.local [hbm:s5], s20  }
0xa4: {  	_ =	swait.ge [sflag:s22], s20  }
0xa5: {  	s4 =	ssub.s32 $0x0, s20;
	[sflag:s22] =	ssyncset.done $0x0  }
0xa6: {  	[sflag:s22] =	ssyncadd.s32 s4;
	_ =	sdelay $0x1  }
0xa7: {  	s23 =	simm.s32 $0x1B8B  }
0xa8: {  	_ =	swait.ge [sflag:s23], $0x1  }
0xa9: {  	[sflag:s23] =	ssyncset.done $0x0  }
0xaa: {  	s25 =	simm.s32 $0x1B8E;
	s24 =	sld [smem:$0x3FFE];
	[sflag:s23] =	ssyncadd.s32 $0xFFFFFFFF  }
0xab: {  	s26 =	simm.s32 $execute0_lowered;
	[smem:$0x3FD2] =	sst s25  }
0xac: {  	s5 =	sshll.u32 s26, $0x1;
	_ =	strace $0x80000046;
	[dreg:$0x1] =	wrdreg $0xFFFFFFFF  }
0xad: {  	s28 =	simm.s32 $_size_execute0_lowered;
	s3 =	sadd.s32 s3, s5;
	[dreg:$0x0] =	wrdreg $0x0  }
0xae: {  	s5 =	sshll.u32 s28, $0x1;
	[dreg:$0x2] =	wrdreg s3  }
0xaf: {  	[dreg:$0x3] =	wrdreg s5  }
0xb0: {  	[dreg:$0x4] =	wrdreg $0xC0  }
0xb1: {  	_ =	task [dreg:s7], $0x5FFFF  }
0xb2: {  	[dreg:$0x1] =	wrdreg $0xFFFFFFFF  }
0xb3: {  	[dreg:$0x0] =	wrdreg $0x60  }
0xb4: {  	[dreg:$0x2] =	wrdreg s16  }
0xb5: {  	[dreg:$0x3] =	wrdreg s24  }
0xb6: {  	[dreg:$0x4] =	wrdreg $0x9  }
0xb7: {  	_ =	task.clear_ibuf [dreg:s7], $0x5FFFF;
	_ =	strace $0x90000046  }
0xb8: {  	s29 =	simm.s32 $0x9;
	_ =	strace $0x80000048  }
0xb9: {  	_ =	swait.ge [sflag:s29], $0x1  }
0xba: {  	[sflag:s29] =	ssyncadd.s32 $0xFFFFFFFF  }
0xbb: {  	_ =	strace $0x90000048  }
0xbc: {  	_ =	sfence  }
0xbd: {  	s30 =	sld [smem:$0x0];
	_ =	sdelay $0x2  }
0xbe: {  	s31 =	sshll.u32 s1, $0xD;
	s1 =	sshrl.u32 s1, $0x2  }
0xbf: {  	s3 =	sand.u32 $0x4000, s31;
	s1 =	sadd.s32 s1, s30  }
0xc0: {  	s0 =	sor.u32 s3, s0;
	s1 =	sshll.u32 s1, $0x11  }
0xc1: {  	s0 =	sor.u32 s1, s0  }
0xc2: {  	s0 =	sadd.s32 $0x8F2B, s0  }
0xc3: {  	[sflag:s0] =	ssyncadd.remote.s32 $0x1  }
0xc4: {  	_ =	sfence.sel $0xFFFF  }
0xc5: {  	[dreg:$0x0] =	wrdreg $0xFFFFFFFF;
	(pc) =	sbr.abs _section_cstart, $3  }
0xc6: {  	[dreg:$0x1] =	wrdreg $0xFFFFFFFF  }
0xc7: {  	_ =	task.clear_ibuf [dreg:s7], $0x2FFFF;
	_ =	strace $0x9FFFFFFF  }
0xc8: {  	(tm) =	ssettm $0x7FFFFFFF  }
0xc9: {  	_ =	shalt  }
tec
execute0_lowered:
.L_overlay_start_1:
0x0: {  	(tag) =	ssettag $0x1  }
0x1: {  	s2 =	rddreg [dreg:$0x0]  }
0x2: {  	s4 =	rddreg [dreg:$0x1]  }
0x3: {  	s0 =	rddreg [dreg:$0x2]  }
0x4: {  	s5 =	srdreg.scid;
	s1 =	stileid.u32;
	s3 =	simm.s32 $0x0  }
0x5: {  	s10 =	simm.s32 $0x0;
	s5 =	sand.u32 $0x1, s5;
	s6 =	sshll.u32 s1, $0x1  }
0x6: {  	s14 =	simm.s32 $0x0;
	[smem:$0x7FF] =	sst s3;
	s6 =	sor.u32 s5, s6  }
0x7: {  	s5 =	ssub.s32 $0x2, s5;
	_ =	strace $0x80000047;
	s7 =	sadd.s32 s6, s4  }
0x8: {  	s8 =	sshrl.u32 s5, $0x1;
	p0 =	slt.u32 s6, $0x15;
	s9 =	smul.u32 $0x61, s6  }
0x9: {  	s4 =	simm.s32 $0x62;
	s31 =	smin.u32 s6, $0x15;
	s8 =	ssub.s32 s5, s8  }
0xa: {  	s4 =	simm.s32 @!p0 $0x61;
	s6 =	sadd.s32 $0x1400, s7;
	s5 =	sadd.s32 s31, s9  }
0xb: {  	s7 =	smax.u32 s8, $0x1;
	s8 =	simm.s32 $0x1;
	s9 =	simm.s32 $0x800  }
.LBB2_1:
0xc: {  	v2 =	vimm.s32 $0x0;
	s11 =	simm.s32 $0x0  }
.LBB2_2:
0xd: {  	s12 =	sadd.s32 s11, s5  }
0xe: {  	s12 =	sshll.u32 s12, $0x8  }
0xf: {  	s12 =	sand.u32 $0x1FFFFF00, s12  }
0x10: {  	s13 =	simm.s32 $0x0;
	s12 =	sadd.s32 s2, s12  }
0x11: {  	[tilespmem:s13], [sflag:$0x1] =	stream.linear.gather [hbm4b:s12+s13], $0x800, $0x38;
	[tilespmem:$0x810] =	vst v63  }
0x12: {  	_ =	swait.ge [sflag:s8], $0x800  }
0x13: {  	[sflag:s8] =	ssyncset.done $0x0  }
0x14: {  	[sflag:s8] =	ssyncadd.s32 $0xFFFFF800  }
0x15: {  	v3 =	vld [tilespmem:s14+$0x0]  }
0x16: {  	v4 =	vld [tilespmem:s14+$0x10]  }
0x17: {  	v5 =	vld [tilespmem:s14+$0x20]  }
0x18: {  	v1 =	vld [tilespmem:s14+$0x30]  }
0x19: {  	v0 =	vld [tilespmem:s14+$0x40]  }
0x1a: {  	v3 =	vadd.s32 v2, v3;
	v2 =	vld [tilespmem:s14+$0x50]  }
0x1b: {  	v4 =	vadd.s32 v4, v3;
	v3 =	vld [tilespmem:s14+$0x60]  }
0x1c: {  	s12 =	simm.s32 $0x80;
	s13 =	simm.s32 $0x400;
	v5 =	vadd.s32 v5, v4;
	v4 =	vld [tilespmem:s14+$0x70]  }
.LBB2_3:
0x1d: {  	p0 =	sne.s32 s13, $0x1E00;
	v6 =	vld [tilespmem:s12+$0x0];
	v1 =	vadd.s32 v1, v5  }
0x1e: {  	v5 =	vld [tilespmem:s12+$0x10];
	v0 =	vadd.s32 v0, v1  }
0x1f: {  	v7 =	vld [tilespmem:s12+$0x20];
	v0 =	vadd.s32 v2, v0  }
.Ltmp0:
0x20: {  	v1 =	vld [tilespmem:s12+$0x30];
	v2 =	vadd.s32 v3, v0;
	(pc) =	sbr.rel @p0 .LBB2_3-.Ltmp0, $4  }
0x21: {  	v0 =	vld [tilespmem:s12+$0x40];
	v2 =	vadd.s32 v4, v2  }
0x22: {  	v3 =	vadd.s32 v2, v6;
	v2 =	vld [tilespmem:s12+$0x50]  }
0x23: {  	v4 =	vadd.s32 v5, v3;
	v3 =	vld [tilespmem:s12+$0x60]  }
0x24: {  	v5 =	vadd.s32 v7, v4;
	v4 =	vld [tilespmem:s12+$0x70];
	s12 =	sshra.s32 s13, $0x2;
	s13 =	sadd.s32 $0x200, s13  }
0x25: {  	v6 =	vld [tilespmem:s12+$0x0];
	v1 =	vadd.s32 v1, v5  }
0x26: {  	v61 =	vld [tilespmem:s12+$0x10];
	v0 =	vadd.s32 v0, v1  }
0x27: {  	v1 =	vld [tilespmem:s12+$0x20];
	v0 =	vadd.s32 v2, v0  }
0x28: {  	v2 =	vld [tilespmem:s12+$0x30];
	v0 =	vadd.s32 v3, v0  }
0x29: {  	v3 =	vld [tilespmem:s12+$0x40];
	v0 =	vadd.s32 v4, v0  }
0x2a: {  	v62 =	vld [tilespmem:s12+$0x50];
	v0 =	vadd.s32 v0, v6  }
0x2b: {  	v63 =	vld [tilespmem:s12+$0x60];
	s11 =	sadd.s32 $0x1, s11;
	v0 =	vadd.s32 v61, v0  }
0x2c: {  	p0 =	sne.s32 s11, s4;
	v0 =	vadd.s32 v1, v0;
	v1 =	vld [tilespmem:s12+$0x70]  }
.Ltmp1:
0x2d: {  	v0 =	vadd.s32 v2, v0;
	(pc) =	sbr.rel @p0 .LBB2_2-.Ltmp1, $4  }
0x2e: {  	v0 =	vadd.s32 v3, v0  }
0x2f: {  	v0 =	vadd.s32 v62, v0  }
0x30: {  	v0 =	vadd.s32 v63, v0  }
0x31: {  	v2 =	vadd.s32 v1, v0  }
0x32: {  	(xrf0) =	vadd.scan.msk.s32 $0xffff, v2;
	_ =	sdelay $0x5  }
0x33: {  	v0, _, _ =	vpop (xrf0)  }
0x34: {  	s10 =	sadd.s32 $0x1, s10;
	v0 =	vbroadcast v0, $0xF  }
0x35: {  	p0 =	sne.s32 s10, s7  }
.Ltmp2:
0x36: {  	[tilespmem:$0x800] =	vst v0;
	(pc) =	sbr.rel @p0 .LBB2_1-.Ltmp2, $4  }
0x37: {  	[hbm4b:s6+s3] =	stream.linear.scatter [tilespmem:s9], [sflag:$0x1], $0x8, $0x38;
	[tilespmem:$0x810] =	vst v63  }
0x38: {  	_ =	swait.ge [sflag:s8], $0x8  }
0x39: {  	[sflag:s8] =	ssyncset.done $0x0  }
0x3a: {  	[sflag:s8] =	ssyncadd.s32 $0xFFFFFFF8  }
0x3b: {  	_ =	sfence.sel $0x180000  }
0x3c: {  	[bflag:$0x0] =	sbarrier.arrive $0xFFFF  }
0x3d: {  	p0 =	sne.s32 s1, $0x0;
	_ =	strace $0x90000047  }
0x3e: {  	s0 =	sadd.s32 @!p0 $0x100000, s0;
	[bflag:$0x2] =	sbarrier.arrive $0xFFFF  }
0x3f: {  	[sflag:s0] =	ssyncadd.tile.s32 @!p0 $0x1;
	_ =	shalt  }
.Lfunc_end2:
_tile_overlayer_lowered:
.L_overlay_start_2:
0x40: {  	(tag) =	ssettag $0x2  }
0x41: {  	s0 =	rddreg [dreg:$0x0];
	s2 =	stileid.u32  }
0x42: {  	s1 =	rddreg [dreg:$0x1];
	p0 =	sne.s32 s2, $0x0  }
0x43: {  	s3 =	rddreg [dreg:$0x2];
	[bflag:$0x3] =	sbarrier.arrive $0xFFFF;
	s2 =	simm.s32 @!p0 $0x1C01  }
0x44: {  	[timem:s3], [sflag:s2] =	dma.local @!p0 [hbm:s0], s1  }
0x45: {  	s0 =	simm.s32 @!p0 $0x1  }
0x46: {  	_ =	swait.ge @!p0 [sflag:s0], s1  }
0x47: {  	s1 =	ssub.s32 @!p0 $0x0, s1;
	[sflag:s0] =	ssyncset.done @!p0 $0x0  }
0x48: {  	[sflag:s0] =	ssyncadd.s32 @!p0 s1  }
0x49: {  	[bflag:$0x3] =	sbarrier.arrive $0xFFFF  }
0x4a: {  	_ =	shalt  }

// kernel: kernel.7.cloned.1.call-start
scs
__scs_entry_jumppad:
0x0: {  	(pc) =	sbr.rel $0x88, $3  }
0x1: {  	(tag) =	ssettag $0x0;
	lr =	simm.s32 $0x1  }
0x2: {  	[smem:$0x3F9E] =	sst lr;
	_ =	strace $0xD0000000  }
0x3: {  	_ = 	snop  }
0x4: {  	_ = 	snop  }
0x5: {  	_ = 	snop  }
0x6: {  	_ = 	snop  }
0x7: {  	_ = 	snop  }
__scs_overlays_trampoline_lowered:
0x8: {  	[smem:$0x3FAD] =	sst s0  }
0x9: {  	[smem:$0x3FAE] =	sst s1  }
0xa: {  	[smem:$0x3FAF] =	sst s2  }
0xb: {  	[smem:$0x3FB0] =	sst s3  }
0xc: {  	[smem:$0x3FB1] =	sst s4  }
0xd: {  	[smem:$0x3FB2] =	sst s5  }
0xe: {  	[smem:$0x3FB3] =	sst s6  }
0xf: {  	[smem:$0x3FB4] =	sst s7  }
0x10: {  	[smem:$0x3FB5] =	sst s8  }
0x11: {  	[smem:$0x3FB6] =	sst s9;
	s0 =	simm.s32 @!p0 $0x0  }
0x12: {  	s1 =	sld [smem:$0x3F9C];
	s0 =	simm.s32 @p0 $0x1  }
0x13: {  	[smem:$0x3FB7] =	sst s0;
	s0 =	simm.s32 @!p1 $0x0  }
0x14: {  	s2 =	sld [smem:$0x3F9B];
	s0 =	simm.s32 @p1 $0x1  }
0x15: {  	[smem:$0x3FB8] =	sst s0;
	s0 =	simm.s32 @!p2 $0x0  }
0x16: {  	s3 =	sld [smem:$0x3FDB];
	s0 =	simm.s32 @p2 $0x1  }
0x17: {  	s4 =	simm.s32 $0x1BF5;
	[smem:$0x3FBA] =	sst s0  }
0x18: {  	s0 =	sld [smem:$0x3F9D];
	_ =	swait.ge [sflag:s4], $0x0  }
0x19: {  	s7 =	sld [smem:$0x3F9E]  }
0x1a: {  	s8 =	sadd.s32 $0xFFFFE003, lr  }
0x1b: {  	s9 =	sadd.s32 $0xFFFFFEF7, lr;
	s5 =	simm.s32 $0xFFFFFFFF;
	p2 =	slt.u32 s8, $0xFFFFF086  }
0x1c: {  	p1 =	slt.u32 s9, $0xF7A;
	s5 =	simm.s32 @!p2 $0x0  }
0x1d: {  	s5 =	simm.s32 @p1 $0x1;
	p0 =	seq.s32 s7, s2  }
0x1e: {  	s7 =	smul.u32 @!p0 $0xF7A, s2;
	p2 =	seq.s32 @!p0 s5, $0x0  }
0x1f: {  	s9 =	smul.u32 $0xF7A, s1;
	s8 =	simm.s32 @!p0 $0x1BF5;
	p2 =	por !p2, p0  }
0x20: {  	[sflag:s8] =	ssyncset.s32 @!p0 $0xFFFFF086;
	s6 =	sadd.s32 @!p0 s3, s7;
	s7 =	simm.s32 @!p0 $0x108  }
0x21: {  	s3 =	sadd.s32 s3, s9;
	s6 =	sadd.s32 @!p0 $0x88, s6;
	s7 =	simm.s32 @p2 $0x1082  }
0x22: {  	[simem:s7], [sflag:s8] =	dma.local @!p0 [hbm:s6], $0xF7A  }
0x23: {  	s9 =	sor.u32 $0xD0000000, s2;
	s6 =	simm.s32 $0x108;
	_ =	swait.ge @!p0 [sflag:s8], $0x0  }
0x24: {  	s3 =	sadd.s32 $0x88, s3;
	s6 =	simm.s32 @!p1 $0x1082;
	[sflag:s4] =	ssyncset.s32 $0xFFFFF086  }
0x25: {  	[simem:s6], [sflag:s4] =	dma.local [hbm:s3], $0xF7A  }
0x26: {  	[smem:$0x3F9E] =	sst s1;
	(tag) =	ssettag s2;
	_ =	strace s9  }
0x27: {  	s1 =	sld [smem:$0x3FAE]  }
0x28: {  	s2 =	sld [smem:$0x3FAF]  }
0x29: {  	s4 =	sld [smem:$0x3FB1]  }
0x2a: {  	p0 =	seq.s32 s5, $0x0;
	s5 =	sld [smem:$0x3FB2]  }
0x2b: {  	s6 =	sld [smem:$0x3FB3]  }
0x2c: {  	s7 =	sld [smem:$0x3FB4]  }
0x2d: {  	s3 =	simm.s32 $0x108;
	s8 =	sld [smem:$0x3FB5]  }
0x2e: {  	s3 =	simm.s32 @!p0 $0x1082;
	s9 =	sld [smem:$0x3FB6]  }
0x2f: {  	lr =	sadd.s32 s0, s3;
	s0 =	sld [smem:$0x3FAD]  }
0x30: {  	s3 =	sld [smem:$0x3FB0]  }
0x31: {  	[smem:$0x3FB9] =	sst s10  }
0x32: {  	s10 =	sld [smem:$0x3FB7];
	_ =	sdelay $0x3  }
0x33: {  	p0 =	seq.s32 s10, $0x1;
	s10 =	sld [smem:$0x3FB9];
	_ =	sdelay $0x3  }
0x34: {  	[smem:$0x3FB9] =	sst s10  }
0x35: {  	s10 =	sld [smem:$0x3FB8];
	_ =	sdelay $0x3  }
0x36: {  	p1 =	seq.s32 s10, $0x1;
	s10 =	sld [smem:$0x3FB9];
	_ =	sdelay $0x3  }
0x37: {  	[smem:$0x3FB9] =	sst s10  }
0x38: {  	s10 =	sld [smem:$0x3FBA]  }
0x39: {  	_ = 	snop;
	(pc) =	sbr.ind lr, $3  }
0x3a: {  	_ = 	snop  }
0x3b: {  	_ = 	snop  }
0x3c: {  	p2 =	seq.s32 s10, $0x1;
	s10 =	sld [smem:$0x3FB9]  }
0x3d: {  	_ =	shalt  }
0x3e: {  	_ =	shalt  }
0x3f: {  	_ =	shalt  }
0x40: {  	_ =	shalt  }
0x41: {  	_ =	shalt  }
0x42: {  	_ =	shalt  }
0x43: {  	_ =	shalt  }
0x44: {  	_ =	shalt  }
0x45: {  	_ =	shalt  }
0x46: {  	_ =	shalt  }
0x47: {  	_ =	shalt  }
0x48: {  	_ =	shalt  }
0x49: {  	_ =	shalt  }
0x4a: {  	_ =	shalt  }
0x4b: {  	_ =	shalt  }
0x4c: {  	_ =	shalt  }
0x4d: {  	_ =	shalt  }
0x4e: {  	_ =	shalt  }
0x4f: {  	_ =	shalt  }
0x50: {  	_ =	shalt  }
0x51: {  	_ =	shalt  }
0x52: {  	_ =	shalt  }
0x53: {  	_ =	shalt  }
0x54: {  	_ =	shalt  }
0x55: {  	_ =	shalt  }
0x56: {  	_ =	shalt  }
0x57: {  	_ =	shalt  }
0x58: {  	_ =	shalt  }
0x59: {  	_ =	shalt  }
0x5a: {  	_ =	shalt  }
0x5b: {  	_ =	shalt  }
0x5c: {  	_ =	shalt  }
0x5d: {  	_ =	shalt  }
0x5e: {  	_ =	shalt  }
0x5f: {  	_ =	shalt  }
0x60: {  	_ =	shalt  }
0x61: {  	_ =	shalt  }
0x62: {  	_ =	shalt  }
0x63: {  	_ =	shalt  }
0x64: {  	_ =	shalt  }
0x65: {  	_ =	shalt  }
0x66: {  	_ =	shalt  }
0x67: {  	_ =	shalt  }
0x68: {  	_ =	shalt  }
0x69: {  	_ =	shalt  }
0x6a: {  	_ =	shalt  }
0x6b: {  	_ =	shalt  }
0x6c: {  	_ =	shalt  }
0x6d: {  	_ =	shalt  }
0x6e: {  	_ =	shalt  }
0x6f: {  	_ =	shalt  }
0x70: {  	_ =	shalt  }
0x71: {  	_ =	shalt  }
0x72: {  	_ =	shalt  }
0x73: {  	_ =	shalt  }
0x74: {  	_ =	shalt  }
0x75: {  	_ =	shalt  }
0x76: {  	_ =	shalt  }
0x77: {  	_ =	shalt  }
0x78: {  	_ =	shalt  }
0x79: {  	_ =	shalt  }
0x7a: {  	_ =	shalt  }
0x7b: {  	_ =	shalt  }
0x7c: {  	_ =	shalt  }
0x7d: {  	_ =	shalt  }
0x7e: {  	_ =	shalt  }
0x7f: {  	_ =	shalt  }
0x80: {  	_ =	shalt  }
0x81: {  	_ =	shalt  }
0x82: {  	_ =	shalt  }
0x83: {  	_ =	shalt  }
0x84: {  	_ =	shalt  }
0x85: {  	_ =	shalt  }
0x86: {  	_ =	shalt  }
0x87: {  	_ =	shalt  }
.Lfunc_end0:
.L_simem_size_0:
called_computation.2_lowered:
.L_overlay_start_0:
0x88: {  	s2 =	sld [smem:$0x3FD9]  }
0x89: {  	s3 =	sld [smem:$0x3FFE];
	_ =	sdelay $0x1  }
0x8a: {  	s1 =	srdreg.scid  }
0x8b: {  	s0 =	sand.u32 $0x1, s1  }
0x8c: {  	s14 =	sshll.u32 s0, $0xA;
	s2 =	sadd.s32 s3, s2  }
0x8d: {  	s2 =	sadd.s32 s2, s14  }
0x8e: {  	[smem:$0x3FC5] =	sst s2  }
0x8f: {  	_ = 	snop  }
0x90: {  	s2 =	sld [smem:$0x3FD0];
	_ =	sdelay $0x2  }
0x91: {  	s15 =	simm.s32 $0xA;
	s4 =	simm.s32 $0x10  }
0x92: {  	[smem:s4], [sflag:s15] =	dma.local [hbm:s2], $0x1  }
0x93: {  	_ =	swait.eq [sflag:s15], $0x1  }
0x94: {  	s16 =	sld [smem:$0x10];
	[sflag:s15] =	ssyncset.done $0x0  }
0x95: {  	s17 =	sld [smem:$0x11];
	[sflag:s15] =	ssyncadd.s32 $0xFFFFFFFF  }
0x96: {  	s18 =	sld [smem:$0x12];
	(tm) =	ssettm $0x1  }
0x97: {  	s5 =	sld [smem:$0x3FFB];
	_ =	sdelay $0x3  }
0x98: {  	_ =	strace s5  }
0x99: {  	s5 =	sld [smem:$0x3FFC];
	_ =	sdelay $0x3  }
0x9a: {  	_ =	strace s5  }
0x9b: {  	s5 =	sld [smem:$0x3FFD];
	_ =	sdelay $0x3  }
0x9c: {  	_ =	strace s5  }
0x9d: {  	_ =	strace $0x8FFFFFFF  }
0x9e: {  	s19 =	sld [smem:$0x3FDB];
	_ =	sdelay $0x1  }
0x9f: {  	s6 =	simm.s32 $_scs_section_size  }
0xa0: {  	s7 =	simm.s32 $_size__tile_overlayer_lowered;
	s8 =	simm.s32 $_tile_overlayer_lowered  }
0xa1: {  	s22 =	simm.s32 $0x1BFF;
	s21 =	sshll.u32 s8, $0x1;
	s5 =	sadd.s32 s6, s19  }
0xa2: {  	s9 =	simm.s32 $0x0;
	s20 =	sshll.u32 s7, $0x1;
	s7 =	sadd.s32 s21, s5  }
0xa3: {  	[timem:s9], [sflag:s22] =	dma.local [hbm:s7], s20  }
0xa4: {  	_ =	swait.ge [sflag:s22], s20  }
0xa5: {  	s6 =	ssub.s32 $0x0, s20;
	[sflag:s22] =	ssyncset.done $0x0  }
0xa6: {  	[sflag:s22] =	ssyncadd.s32 s6;
	_ =	sdelay $0x1  }
0xa7: {  	s23 =	simm.s32 $0x1B8B  }
0xa8: {  	_ =	swait.ge [sflag:s23], $0x1  }
0xa9: {  	[sflag:s23] =	ssyncset.done $0x0  }
0xaa: {  	s25 =	simm.s32 $0x1B8E;
	s24 =	sld [smem:$0x3FFE];
	[sflag:s23] =	ssyncadd.s32 $0xFFFFFFFF  }
0xab: {  	s26 =	simm.s32 $execute0_lowered;
	[smem:$0x3FD2] =	sst s25  }
0xac: {  	s7 =	sshll.u32 s26, $0x1;
	_ =	strace $0x80000049;
	[dreg:$0x1] =	wrdreg $0xFFFFFFFF  }
0xad: {  	s28 =	simm.s32 $_size_execute0_lowered;
	s5 =	sadd.s32 s5, s7;
	[dreg:$0x0] =	wrdreg $0x0  }
0xae: {  	s7 =	sshll.u32 s28, $0x1;
	[dreg:$0x2] =	wrdreg s5  }
0xaf: {  	[dreg:$0x3] =	wrdreg s7  }
0xb0: {  	[dreg:$0x4] =	wrdreg $0xC0  }
0xb1: {  	_ =	task [dreg:s9], $0x5FFFF  }
0xb2: {  	[dreg:$0x1] =	wrdreg $0xFFFFFFFF  }
0xb3: {  	[dreg:$0x0] =	wrdreg $0x60  }
0xb4: {  	[dreg:$0x2] =	wrdreg s16  }
0xb5: {  	[dreg:$0x3] =	wrdreg s24  }
0xb6: {  	[dreg:$0x4] =	wrdreg s17  }
0xb7: {  	[dreg:$0x5] =	wrdreg s18  }
0xb8: {  	[dreg:$0x6] =	wrdreg $0x9  }
0xb9: {  	_ =	task.clear_ibuf [dreg:s9], $0x7FFFF;
	_ =	strace $0x90000049  }
0xba: {  	s29 =	simm.s32 $0x9;
	_ =	strace $0x8000004B  }
0xbb: {  	_ =	swait.ge [sflag:s29], $0x1  }
0xbc: {  	[sflag:s29] =	ssyncadd.s32 $0xFFFFFFFF  }
0xbd: {  	_ =	strace $0x9000004B  }
0xbe: {  	_ =	sfence  }
0xbf: {  	s30 =	sld [smem:$0x0];
	_ =	sdelay $0x2  }
0xc0: {  	s31 =	sshll.u32 s1, $0xD;
	s1 =	sshrl.u32 s1, $0x2  }
0xc1: {  	s3 =	sand.u32 $0x4000, s31;
	s1 =	sadd.s32 s1, s30  }
0xc2: {  	s0 =	sor.u32 s3, s0;
	s1 =	sshll.u32 s1, $0x11  }
0xc3: {  	s0 =	sor.u32 s1, s0  }
0xc4: {  	s0 =	sadd.s32 $0x8F2B, s0  }
0xc5: {  	[sflag:s0] =	ssyncadd.remote.s32 $0x1  }
0xc6: {  	_ =	sfence.sel $0xFFFF  }
0xc7: {  	[dreg:$0x0] =	wrdreg $0xFFFFFFFF;
	(pc) =	sbr.abs _section_cstart, $3  }
0xc8: {  	[dreg:$0x1] =	wrdreg $0xFFFFFFFF  }
0xc9: {  	_ =	task.clear_ibuf [dreg:s9], $0x2FFFF;
	_ =	strace $0x9FFFFFFF  }
0xca: {  	(tm) =	ssettm $0x7FFFFFFF  }
0xcb: {  	_ =	shalt  }
tec
execute0_lowered:
.L_overlay_start_1:
0x0: {  	(tag) =	ssettag $0x1  }
0x1: {  	s11 =	rddreg [dreg:$0x0]  }
0x2: {  	s5 =	rddreg [dreg:$0x1]  }
0x3: {  	s1 =	srdreg.scid;
	s7 =	rddreg [dreg:$0x2]  }
0x4: {  	s0 =	stileid.u32;
	s2 =	rddreg [dreg:$0x3];
	s3 =	simm.s32 $0x0  }
0x5: {  	s15 =	simm.s32 $0x3;
	s16 =	simm.s32 $0x800;
	s17 =	simm.s32 $0x1000  }
0x6: {  	s18 =	simm.s32 $0x1800;
	s19 =	simm.s32 $0x1;
	s20 =	simm.s32 $0x2  }
0x7: {  	s21 =	simm.s32 $0x0;
	s6 =	sand.u32 $0x1, s1;
	s4 =	smul.u32 $0xC2, s0  }
0x8: {  	s8 =	sshll.u32 s0, $0x1;
	[smem:$0x7FF] =	sst s3;
	s9 =	smul.u32 $0x61, s6  }
0x9: {  	s1 =	rddreg [dreg:$0x4];
	s14 =	sor.u32 s6, s8;
	_ =	strace $0x8000004A  }
0xa: {  	s6 =	ssub.s32 $0x2, s6;
	s8 =	smin.u32 s14, $0x15;
	s9 =	sadd.s32 s9, s4  }
0xb: {  	s31 =	sshrl.u32 s6, $0x1;
	p0 =	slt.u32 s14, $0x15;
	s8 =	sadd.s32 s8, s9  }
0xc: {  	s4 =	sadd.s32 $0x1400, s5;
	s6 =	ssub.s32 s6, s31;
	s12 =	sshll.u32 s8, $0x8  }
0xd: {  	s6 =	smax.u32 s6, $0x1;
	s8 =	sshll.u32 s8, $0xA;
	s13 =	sadd.s32 s12, s5  }
0xe: {  	v0 =	vlaneseq.u32;
	s30 =	sadd.s32 s8, s5;
	s5 =	simm.s32 $0x62;
	s7 =	sadd.s32 s8, s7  }
0xf: {  	v0 =	vmul.u32 $0x8, v0;
	s11 =	sadd.s32 s12, s11;
	s5 =	simm.s32 @!p0 $0x61;
	s8 =	sadd.s32 $0x188200, s30  }
0x10: {  	s9 =	sadd.s32 $0xC4C00, s13;
	s10 =	sadd.s32 $0x1600, s13;
	s12 =	sadd.s32 $0x495600, s13  }
0x11: {  	v1 =	vor.u32 $0x80, v0;
	s13 =	sadd.s32 $0x558C00, s13;
	p0 =	sne.s32 s14, $0x0;
	s14 =	simm.s32 $0x3800  }
.LBB2_1:
0x12: {  	[tilespmem:s14], [sflag:$0x3] =	stream.linear.gather [hbm4b:s4+s3], $0x100, $0x38;
	[tilespmem:$0x3910] =	vst v63  }
0x13: {  	_ =	swait.ge [sflag:s15], $0x100  }
0x14: {  	[sflag:s15] =	ssyncset.done $0x0  }
0x15: {  	[sflag:s15] =	ssyncadd.s32 $0xFFFFFF00  }
0x16: {  	v2 =	vld.idx.msk [tilespmem:v0+s14+$0x0], $0xffff  }
0x17: {  	v3 =	vld.idx.msk [tilespmem:v1+s14+$0x0], $0xffff;
	_ =	sdelay $0x3  }
0x18: {  	(xrf0) =	vadd.scan.msk.s32 @!p0 $0xffff, v2  }
0x19: {  	(xrf0) =	vadd.scan.msk.s32 @!p0 $0xffff, v3;
	_ =	sdelay $0x4  }
0x1a: {  	v2, _, _ =	vpop @!p0 (xrf0)  }
0x1b: {  	(v2sf) =	vpush @!p0 v2, $0xF;
	v2, _, _ =	vpop @!p0 (xrf0)  }
0x1c: {  	(v2sf) =	vpush @!p0 v2, $0xF;
	_ =	sdelay $0xd  }
0x1d: {  	s22 =	spop @!p0 (v2sf)  }
0x1e: {  	s23 =	spop @!p0 (v2sf)  }
0x1f: {  	s22 =	sadd.s32 @!p0 s22, s23  }
0x20: {  	v2 =	vmov @!p0 s22  }
0x21: {  	s23 =	simm.s32 @!p0 $0x3900;
	s22 =	simm.s32 @!p0 $0x0;
	[tilespmem:$0x3900] =	vst @!p0 v2  }
0x22: {  	[hbm4b:s2+s22] =	stream.linear.scatter @!p0 [tilespmem:s23], [sflag:$0x3], $0x8, $0x38;
	[tilespmem:$0x3910] =	vst v63  }
0x23: {  	s22 =	simm.s32 @!p0 $0x3  }
0x24: {  	_ =	swait.ge @!p0 [sflag:s22], $0x8  }
0x25: {  	[sflag:s22] =	ssyncset.done @!p0 $0x0  }
0x26: {  	[sflag:s22] =	ssyncadd.s32 @!p0 $0xFFFFFFF8  }
0x27: {  	[tilespmem:s3], [sflag:$0x3] =	stream.linear.gather [hbm4b:s11+s3], $0x800, $0x38;
	[tilespmem:$0x3910] =	vst v63  }
0x28: {  	_ =	swait.ge [sflag:s15], $0x800  }
0x29: {  	[sflag:s15] =	ssyncset.done $0x0  }
0x2a: {  	[sflag:s15] =	ssyncadd.s32 $0xFFFFF800  }
0x2b: {  	[tilespmem:s16], [sflag:$0x1] =	stream.linear.gather [hbm4b:s9+s3], $0x800, $0x38;
	[tilespmem:$0x3910] =	vst v63  }
0x2c: {  	_ = 	snop  }
0x2d: {  	[tilespmem:s17], [sflag:$0x1] =	stream.linear.gather [hbm4b:s10+s3], $0x800, $0x38;
	[tilespmem:$0x3910] =	vst v63  }
0x2e: {  	_ = 	snop  }
0x2f: {  	[tilespmem:s18], [sflag:$0x1] =	stream.linear.gather [hbm4b:s7+s3], $0x2000, $0x38;
	[tilespmem:$0x3910] =	vst v63  }
0x30: {  	_ =	swait.ge [sflag:s19], $0x800  }
0x31: {  	[sflag:s19] =	ssyncset.done $0x0  }
0x32: {  	[sflag:s19] =	ssyncadd.s32 $0xFFFFF800  }
0x33: {  	_ =	swait.ge [sflag:s19], $0x800  }
0x34: {  	[sflag:s19] =	ssyncset.done $0x0  }
0x35: {  	[sflag:s19] =	ssyncadd.s32 $0xFFFFF800  }
0x36: {  	_ =	swait.ge [sflag:s19], $0x2000  }
0x37: {  	[sflag:s19] =	ssyncset.done $0x0  }
0x38: {  	[sflag:s19] =	ssyncadd.s32 $0xFFFFE000  }
0x39: {  	[hbm4b:s12+s3] =	stream.linear.scatter [tilespmem:s16], [sflag:$0x2], $0x800, $0x38;
	[tilespmem:$0x3910] =	vst v63  }
0x3a: {  	_ = 	snop  }
0x3b: {  	[hbm4b:s13+s3] =	stream.linear.scatter [tilespmem:s17], [sflag:$0x2], $0x800, $0x38;
	[tilespmem:$0x3910] =	vst v63  }
0x3c: {  	_ = 	snop  }
0x3d: {  	[hbm4b:s8+s3] =	stream.linear.scatter [tilespmem:s18], [sflag:$0x2], $0x2000, $0x38;
	[tilespmem:$0x3910] =	vst v63  }
0x3e: {  	_ =	swait.ge [sflag:s20], $0x800  }
0x3f: {  	[sflag:s20] =	ssyncset.done $0x0  }
0x40: {  	p1 =	sne.s32 s5, $0x1;
	[sflag:s20] =	ssyncadd.s32 $0xFFFFF800  }
.Ltmp0:
0x41: {  	_ =	swait.ge [sflag:s20], $0x800;
	(pc) =	sbr.rel @!p1 .LBB2_3-.Ltmp0, $4  }
0x42: {  	s24 =	sadd.s32 $0x100, s10;
	s25 =	sadd.s32 $0x100, s12;
	[sflag:s20] =	ssyncset.done $0x0  }
0x43: {  	s26 =	sadd.s32 $0x100, s11;
	s28 =	sadd.s32 $0x100, s9;
	[sflag:s20] =	ssyncadd.s32 $0xFFFFF800  }
0x44: {  	s29 =	smov.u32 s7;
	s30 =	smov.u32 s8;
	_ =	swait.ge [sflag:s20], $0x2000  }
0x45: {  	s23 =	sadd.s32 $0x100, s13;
	s22 =	sadd.s32 $0xFFFFFFFF, s5;
	[sflag:s20] =	ssyncset.done $0x0  }
.LBB2_2:
0x46: {  	[sflag:s20] =	ssyncadd.s32 $0xFFFFE000;
	s29 =	sadd.s32 $0x400, s29;
	s30 =	sadd.s32 $0x400, s30  }
0x47: {  	[tilespmem:s3], [sflag:$0x3] =	stream.linear.gather [hbm4b:s26+s3], $0x800, $0x38;
	[tilespmem:$0x3910] =	vst v63  }
0x48: {  	p1 =	sne.s32 s22, $0x1;
	s22 =	sadd.s32 $0xFFFFFFFF, s22;
	_ =	swait.ge [sflag:s15], $0x800  }
0x49: {  	[sflag:s15] =	ssyncset.done $0x0  }
0x4a: {  	[sflag:s15] =	ssyncadd.s32 $0xFFFFF800  }
0x4b: {  	[tilespmem:s16], [sflag:$0x1] =	stream.linear.gather [hbm4b:s28+s3], $0x800, $0x38;
	[tilespmem:$0x3910] =	vst v63  }
0x4c: {  	_ = 	snop  }
0x4d: {  	[tilespmem:s17], [sflag:$0x1] =	stream.linear.gather [hbm4b:s24+s3], $0x800, $0x38;
	[tilespmem:$0x3910] =	vst v63  }
0x4e: {  	_ = 	snop  }
0x4f: {  	[tilespmem:s18], [sflag:$0x1] =	stream.linear.gather [hbm4b:s29+s3], $0x2000, $0x38;
	[tilespmem:$0x3910] =	vst v63  }
0x50: {  	_ =	swait.ge [sflag:s19], $0x800  }
0x51: {  	[sflag:s19] =	ssyncset.done $0x0  }
0x52: {  	[sflag:s19] =	ssyncadd.s32 $0xFFFFF800  }
0x53: {  	_ =	swait.ge [sflag:s19], $0x800  }
0x54: {  	[sflag:s19] =	ssyncset.done $0x0  }
0x55: {  	[sflag:s19] =	ssyncadd.s32 $0xFFFFF800  }
0x56: {  	_ =	swait.ge [sflag:s19], $0x2000  }
0x57: {  	[sflag:s19] =	ssyncset.done $0x0  }
0x58: {  	[sflag:s19] =	ssyncadd.s32 $0xFFFFE000  }
0x59: {  	[hbm4b:s25+s3] =	stream.linear.scatter [tilespmem:s16], [sflag:$0x2], $0x800, $0x38;
	[tilespmem:$0x3910] =	vst v63  }
0x5a: {  	_ = 	snop  }
0x5b: {  	[hbm4b:s23+s3] =	stream.linear.scatter [tilespmem:s17], [sflag:$0x2], $0x800, $0x38;
	[tilespmem:$0x3910] =	vst v63  }
0x5c: {  	_ = 	snop  }
0x5d: {  	[hbm4b:s30+s3] =	stream.linear.scatter [tilespmem:s18], [sflag:$0x2], $0x2000, $0x38;
	[tilespmem:$0x3910] =	vst v63  }
0x5e: {  	_ =	swait.ge [sflag:s20], $0x800  }
0x5f: {  	[sflag:s20] =	ssyncset.done $0x0  }
0x60: {  	[sflag:s20] =	ssyncadd.s32 $0xFFFFF800  }
.Ltmp1:
0x61: {  	_ =	swait.ge [sflag:s20], $0x800;
	(pc) =	sbr.rel @p1 .LBB2_2-.Ltmp1, $4  }
0x62: {  	[sflag:s20] =	ssyncset.done $0x0  }
0x63: {  	s23 =	sadd.s32 $0x100, s23;
	[sflag:s20] =	ssyncadd.s32 $0xFFFFF800  }
0x64: {  	s24 =	sadd.s32 $0x100, s24;
	s25 =	sadd.s32 $0x100, s25;
	_ =	swait.ge [sflag:s20], $0x2000  }
0x65: {  	s26 =	sadd.s32 $0x100, s26;
	s28 =	sadd.s32 $0x100, s28;
	[sflag:s20] =	ssyncset.done $0x0  }
.LBB2_3:
0x66: {  	s21 =	sadd.s32 $0x1, s21  }
0x67: {  	p1 =	sne.s32 s21, s6  }
.Ltmp2:
0x68: {  	_ = 	snop;
	(pc) =	sbr.rel @p1 .LBB2_1-.Ltmp2, $2  }
0x69: {  	_ =	sdelay $0x2  }
0x6a: {  	[sflag:s20] =	ssyncadd.s32 $0xFFFFE000  }
0x6b: {  	_ =	sfence.sel $0x180000  }
0x6c: {  	[bflag:$0x0] =	sbarrier.arrive $0xFFFF  }
0x6d: {  	p0 =	sne.s32 s0, $0x0;
	_ =	strace $0x9000004A  }
0x6e: {  	s0 =	sadd.s32 @!p0 $0x100000, s1;
	[bflag:$0x2] =	sbarrier.arrive $0xFFFF  }
0x6f: {  	[sflag:s0] =	ssyncadd.tile.s32 @!p0 $0x1;
	_ =	shalt  }
.Lfunc_end2:
_tile_overlayer_lowered:
.L_overlay_start_2:
0x70: {  	(tag) =	ssettag $0x2  }
0x71: {  	s0 =	rddreg [dreg:$0x0];
	s2 =	stileid.u32  }
0x72: {  	s1 =	rddreg [dreg:$0x1];
	p0 =	sne.s32 s2, $0x0  }
0x73: {  	s3 =	rddreg [dreg:$0x2];
	[bflag:$0x3] =	sbarrier.arrive $0xFFFF;
	s2 =	simm.s32 @!p0 $0x1C03  }
0x74: {  	[timem:s3], [sflag:s2] =	dma.local @!p0 [hbm:s0], s1  }
0x75: {  	s0 =	simm.s32 @!p0 $0x3  }
0x76: {  	_ =	swait.ge @!p0 [sflag:s0], s1  }
0x77: {  	s1 =	ssub.s32 @!p0 $0x0, s1;
	[sflag:s0] =	ssyncset.done @!p0 $0x0  }
0x78: {  	[sflag:s0] =	ssyncadd.s32 @!p0 s1  }
0x79: {  	[bflag:$0x3] =	sbarrier.arrive $0xFFFF  }
0x7a: {  	_ =	shalt  }

// kernel: sparse-core-data-format-call.cloned.1.call-start
scs
called_computation_lowered:
.L_overlay_start_0:
0x0: {  	s2 =	sld [smem:$0x3FD9]  }
0x1: {  	s3 =	sld [smem:$0x3FFE];
	_ =	sdelay $0x1  }
0x2: {  	s1 =	srdreg.scid  }
0x3: {  	s0 =	sand.u32 $0x1, s1  }
0x4: {  	s15 =	sshll.u32 s0, $0xA;
	s2 =	sadd.s32 s3, s2  }
0x5: {  	s2 =	sadd.s32 s2, s15  }
0x6: {  	[smem:$0x3FC5] =	sst s2  }
0x7: {  	_ = 	snop  }
0x8: {  	s2 =	sld [smem:$0x3FD0];
	_ =	sdelay $0x2  }
0x9: {  	s16 =	simm.s32 $0xA;
	s4 =	simm.s32 $0x10  }
0xa: {  	[smem:s4], [sflag:s16] =	dma.local [hbm:s2], $0x1  }
0xb: {  	_ =	swait.eq [sflag:s16], $0x1  }
0xc: {  	[sflag:s16] =	ssyncset.done $0x0  }
0xd: {  	[sflag:s16] =	ssyncadd.s32 $0xFFFFFFFF  }
0xe: {  	s17 =	sld [smem:$0x11];
	(tm) =	ssettm $0x1  }
0xf: {  	s18 =	sld [smem:$0x3FFB];
	_ =	sdelay $0x3  }
0x10: {  	_ =	strace s18  }
0x11: {  	s3 =	sld [smem:$0x3FFC];
	_ =	sdelay $0x3  }
0x12: {  	_ =	strace s3  }
0x13: {  	s3 =	sld [smem:$0x3FFD];
	_ =	sdelay $0x3  }
0x14: {  	_ =	strace s3  }
0x15: {  	_ =	strace $0x8FFFFFFF  }
0x16: {  	s19 =	sld [smem:$0x3FDB];
	_ =	sdelay $0x1  }
0x17: {  	s20 =	simm.s32 $_scs_section_size  }
0x18: {  	s5 =	simm.s32 $_size__tile_overlayer_lowered;
	s6 =	simm.s32 $_tile_overlayer_lowered  }
0x19: {  	s23 =	simm.s32 $0x1BFF;
	s22 =	sshll.u32 s6, $0x1;
	s3 =	sadd.s32 s20, s19  }
0x1a: {  	s7 =	simm.s32 $0x0;
	s21 =	sshll.u32 s5, $0x1;
	s5 =	sadd.s32 s22, s3  }
0x1b: {  	[timem:s7], [sflag:s23] =	dma.local [hbm:s5], s21  }
0x1c: {  	_ =	swait.ge [sflag:s23], s21  }
0x1d: {  	s4 =	ssub.s32 $0x0, s21;
	[sflag:s23] =	ssyncset.done $0x0  }
0x1e: {  	[sflag:s23] =	ssyncadd.s32 s4;
	_ =	sdelay $0x1  }
0x1f: {  	s24 =	simm.s32 $0x1B8B  }
0x20: {  	_ =	swait.ge [sflag:s24], $0x1  }
0x21: {  	[sflag:s24] =	ssyncset.done $0x0  }
0x22: {  	s26 =	simm.s32 $0x1B8E;
	s25 =	sld [smem:$0x3FFE];
	[sflag:s24] =	ssyncadd.s32 $0xFFFFFFFF  }
0x23: {  	s27 =	simm.s32 $execute0_lowered;
	[smem:$0x3FD2] =	sst s26  }
0x24: {  	s5 =	sshll.u32 s27, $0x1;
	_ =	strace $0x8000004C;
	[dreg:$0x1] =	wrdreg $0xFFFFFFFF  }
0x25: {  	s28 =	simm.s32 $_size_execute0_lowered;
	s3 =	sadd.s32 s3, s5;
	[dreg:$0x0] =	wrdreg $0x0  }
0x26: {  	s5 =	sshll.u32 s28, $0x1;
	[dreg:$0x2] =	wrdreg s3  }
0x27: {  	[dreg:$0x3] =	wrdreg s5  }
0x28: {  	[dreg:$0x4] =	wrdreg $0xC0  }
0x29: {  	_ =	task [dreg:s7], $0x5FFFF  }
0x2a: {  	[dreg:$0x1] =	wrdreg $0xFFFFFFFF  }
0x2b: {  	[dreg:$0x0] =	wrdreg $0x60  }
0x2c: {  	[dreg:$0x2] =	wrdreg s25  }
0x2d: {  	[dreg:$0x3] =	wrdreg s17  }
0x2e: {  	[dreg:$0x4] =	wrdreg $0x9  }
0x2f: {  	_ =	task.clear_ibuf [dreg:s7], $0x5FFFF;
	_ =	strace $0x9000004C  }
0x30: {  	s29 =	simm.s32 $0x9;
	_ =	strace $0x8000004E  }
0x31: {  	_ =	swait.ge [sflag:s29], $0x1  }
0x32: {  	[sflag:s29] =	ssyncadd.s32 $0xFFFFFFFF  }
0x33: {  	_ =	strace $0x9000004E  }
0x34: {  	_ =	sfence  }
0x35: {  	s30 =	sld [smem:$0x0];
	_ =	sdelay $0x2  }
0x36: {  	s31 =	sshll.u32 s1, $0xD;
	s1 =	sshrl.u32 s1, $0x2  }
0x37: {  	s3 =	sand.u32 $0x4000, s31;
	s1 =	sadd.s32 s1, s30  }
0x38: {  	s0 =	sor.u32 s3, s0;
	s1 =	sshll.u32 s1, $0x11  }
0x39: {  	s0 =	sor.u32 s1, s0  }
0x3a: {  	s0 =	sadd.s32 $0x8F2B, s0  }
0x3b: {  	[sflag:s0] =	ssyncadd.remote.s32 $0x1  }
0x3c: {  	_ =	sfence.sel $0xFFFF  }
0x3d: {  	[dreg:$0x0] =	wrdreg $0xFFFFFFFF;
	(pc) =	sbr.abs _section_cstart, $3  }
0x3e: {  	[dreg:$0x1] =	wrdreg $0xFFFFFFFF  }
0x3f: {  	_ =	task.clear_ibuf [dreg:s7], $0x2FFFF;
	_ =	strace $0x9FFFFFFF  }
0x40: {  	(tm) =	ssettm $0x7FFFFFFF  }
0x41: {  	_ =	shalt  }
tec
execute0_lowered:
.L_overlay_start_1:
0x0: {  	(tag) =	ssettag $0x1  }
0x1: {  	s0 =	srdreg.scid  }
0x2: {  	s5 =	rddreg [dreg:$0x0];
	s1 =	sshll.u32 s0, $0x4  }
0x3: {  	s2 =	rddreg [dreg:$0x1];
	s0 =	stileid.u32;
	s1 =	sand.u32 $0x10, s1  }
0x4: {  	s4 =	simm.s32 $0x1;
	s8 =	simm.s32 $0x2;
	s1 =	sor.u32 s0, s1  }
0x5: {  	s12 =	simm.s32 $0x0;
	s9 =	simm.s32 $0x0;
	s3 =	sshll.u32 s1, $0x7  }
0x6: {  	s11 =	simm.s32 $0x0;
	s5 =	sadd.s32 $0x61C200, s5;
	s6 =	ssub.s32 $0x61A800, s3  }
.Ltmp0:
0x7: {  	s1 =	rddreg [dreg:$0x2];
	s7 =	sand.u32 $0xF80, s6;
	(pc) =	sbr.rel .LBB1_1-.Ltmp0, $4  }
0x8: {  	_ =	strace $0x8000004D;
	p0 =	sne.s32 s7, $0x0;
	s7 =	simm.s32 $0x1  }
0x9: {  	[sflag:s4] =	ssyncpa.u1 $0x0;
	s6 =	sshrl.u32 s6, $0xC;
	s7 =	simm.s32 @!p0 $0x0  }
0xa: {  	s10 =	smov.u32 s3;
	[sflag:s8] =	ssyncpa.u1 $0x0;
	s6 =	sadd.s32 s7, s6  }
0xb: {  	s8 =	simm.s32 $0x186A000;
	p0 =	por $0x0, $0x0;
	s7 =	sadd.s32 $0x1, s6  }
.LBB1_4:
0xc: {  	s15 =	sshll.u32 s9, $0x2;
	p1 =	sgt.s32 s9, $0x61A780  }
0xd: {  	s17 =	smov.u32 s9;
	s18 =	sshra.s32 s9, $0x1F;
	s16 =	sshrl.u32 s15, $0xB  }
0xe: {  	s17 =	simm.s32 @!p1 $0x61A780;
	s18 =	sand.u32 s18, s9;
	s16 =	smulhi.u32 $0x14F8B6, s16  }
0xf: {  	s19 =	sand.u32 $0x7F, s9;
	s15 =	sand.u32 $0xFFFFFE00, s15;
	s17 =	ssub.s32 s17, s18  }
0x10: {  	s17 =	sadd.s32 $0xFF9E5880, s17;
	s26 =	smul.u32 $0x61A800, s16  }
0x11: {  	s15 =	sor.u32 s19, s15;
	s16 =	sand.u32 $0x3, s16;
	s27 =	sshll.u32 s17, $0x4  }
0x12: {  	s28 =	ssub.s32 $0x800, s27;
	s16 =	smul.u32 $0xC3500, s16;
	s15 =	ssub.s32 s15, s26  }
0x13: {  	p1 =	sgt.s32 s17, $0x7F;
	s17 =	sshrl.u32 s28, $0x2;
	s29 =	sand.u32 $0x7, s15  }
0x14: {  	s15 =	sshrl.u32 s15, $0x3;
	s16 =	sadd.s32 s2, s16;
	s18 =	sshll.u32 s29, $0x12  }
0x15: {  	[tilespmem:s14+$0x0 ss:$0x81] =	vst.msk $0xffff, v0;
	s17 =	simm.s32 @p1 $0x0;
	s30 =	sadd.s32 s15, s16;
	s31 =	sor.u32 $0x200, s18  }
0x16: {  	[hbm4b:s30+s31] =	stream.strided.scatter [tilespmem:s13], [sflag:$0x2], s17, s8, s31, $0x20;
	[tilespmem:$0x4040] =	vst v63  }
.LBB1_5:
0x17: {  	p1 =	slt.u32 s11, $0x2  }
0x18: {  	p2 =	sgt.s32 @!p1 s12, $0x61A780  }
0x19: {  	s13 =	smov.u32 s12;
	s14 =	sshra.s32 @!p1 s12, $0x1F;
	p2 =	por !p2, p1  }
0x1a: {  	s12 =	sand.u32 @!p1 s14, s12;
	s13 =	simm.s32 @p2 $0x61A780  }
0x1b: {  	s12 =	ssub.s32 @!p1 s13, s12  }
0x1c: {  	s12 =	sadd.s32 @!p1 $0xFF9E5880, s12  }
0x1d: {  	s13 =	sshll.u32 @!p1 s12, $0x4  }
0x1e: {  	p2 =	sgt.s32 @!p1 s12, $0x7F;
	s12 =	ssub.s32 @!p1 $0x800, s13  }
0x1f: {  	s14 =	sadd.s32 $0x1000, s10;
	p2 =	por !p2, p1;
	s12 =	sshrl.u32 @!p1 s12, $0x2  }
0x20: {  	s12 =	simm.s32 @!p2 $0x0;
	p2 =	sgt.s32 s14, $0x61A7FF  }
0x21: {  	s14 =	smov.u32 @p2 s3;
	p2 =	sne.s32 s11, s7  }
.Ltmp1:
0x22: {  	_ = 	snop;
	(pc) =	sbr.rel @!p2 .LBB1_6-.Ltmp1, $4  }
0x23: {  	s13 =	simm.s32 @!p1 $0x2  }
0x24: {  	p0 =	por !p0, !p0;
	_ =	swait.ge @!p1 [sflag:s13], s12;
	s15 =	ssub.s32 @!p1 $0x0, s12  }
0x25: {  	s12 =	smov.u32 s9;
	s11 =	sadd.s32 $0x1, s11;
	[sflag:s13] =	ssyncset.done @!p1 $0x0  }
0x26: {  	s9 =	smov.u32 s10;
	s10 =	smov.u32 s14;
	[sflag:s13] =	ssyncadd.s32 @!p1 s15  }
.LBB1_1:
0x27: {  	p1 =	sge.u32 s11, s6  }
0x28: {  	s13 =	sand.u32 @!p1 $0x1FFFFFF, s10  }
0x29: {  	s14 =	smulhi.u32 @!p1 $0x14F8B59, s13;
	_ =	sdelay $0x1  }
0x2a: {  	s14 =	sshrl.u32 @!p1 s14, $0xF  }
0x2b: {  	s14 =	smul.u32 @!p1 $0x61A800, s14;
	_ =	sdelay $0x1  }
0x2c: {  	s31 =	sadd.s32 $0xFFFFFFFF, s11;
	s15 =	sxor.u32 @!p1 $0xFFFFFFFF, s11;
	s13 =	ssub.s32 @!p1 s13, s14  }
0x2d: {  	s16 =	simm.s32 @!p1 $0x80;
	s15 =	sshll.u32 @!p1 s15, $0xC;
	s13 =	sshll.u32 @!p1 s13, $0x4  }
0x2e: {  	s14 =	sand.u32 @!p1 $0x1000, s15;
	s15 =	simm.s32 @!p1 $0x20;
	s13 =	sadd.s32 @!p1 s5, s13  }
0x2f: {  	[tilespmem:s14], [sflag:$0x1] =	stream.strided.gather @!p1 [hbm4b:s13+s15], $0x1000, s16, s15, $0x38;
	[tilespmem:$0x4040] =	vst v63  }
0x30: {  	p1 =	sge.u32 s31, s6  }
.Ltmp2:
0x31: {  	_ = 	snop;
	(pc) =	sbr.rel @p1 .LBB1_5-.Ltmp2, $1  }
0x32: {  	_ =	sdelay $0x3  }
0x33: {  	s13 =	simm.s32 $0x1  }
0x34: {  	_ =	swait.ge [sflag:s4], $0x1000;
	s13 =	simm.s32 @!p0 $0x0  }
0x35: {  	[sflag:s4] =	ssyncset.done $0x0;
	s14 =	sshll.u32 s13, $0xC  }
0x36: {  	[sflag:s4] =	ssyncadd.s32 $0xFFFFF000;
	s17 =	sor.u32 $0x10, s14  }
0x37: {  	s13 =	smul.u32 $0x4080, s13;
	v1 =	vld [tilespmem:s17+$0x0]  }
0x38: {  	s30 =	sand.u32 $0x1, s11;
	v0 =	vld [tilespmem:s17+$0xFFFFFFF0]  }
0x39: {  	s14 =	smul.u32 $0x4080, s30;
	s13 =	sshrl.u32 s13, $0x2  }
0x3a: {  	s15 =	sor.u32 $0x2000, s13  }
0x3b: {  	s31 =	sshrl.u32 s14, $0x2;
	s14 =	sadd.s32 $0x0, s15  }
0x3c: {  	s16 =	simm.s32 $0x4;
	s17 =	sadd.s32 $0x20, s17;
	s13 =	sor.u32 $0x2000, s31;
	[tilespmem:s14+$0x810 ss:$0x81] =	vst.msk $0xffff, v1  }
.LBB1_3:
0x3d: {  	v1 =	vld [tilespmem:s17+$0x0];
	p1 =	sne.s32 s16, $0x1FC;
	[tilespmem:s14+$0x0 ss:$0x81] =	vst.msk $0xffff, v0;
	s14 =	smov.u32 s16;
	s16 =	sadd.s32 $0x4, s16  }
.Ltmp3:
0x3e: {  	v0 =	vld [tilespmem:s17+$0xFFFFFFF0];
	(pc) =	sbr.rel @p1 .LBB1_3-.Ltmp3, $4  }
0x3f: {  	_ = 	snop  }
0x40: {  	s14 =	sshra.s32 s14, $0x2  }
0x41: {  	s14 =	sadd.s32 s14, s15  }
0x42: {  	s17 =	sadd.s32 $0x20, s17;
	[tilespmem:s14+$0x810 ss:$0x81] =	vst.msk $0xffff, v1  }
.Ltmp4:
0x43: {  	_ = 	snop;
	(pc) =	sbr.rel .LBB1_4-.Ltmp4, $1  }
0x44: {  	_ =	sdelay $0x3  }
.LBB1_6:
0x45: {  	_ =	sfence.sel $0x180000  }
0x46: {  	s2 =	simm.s32 $0x1;
	[bflag:$0x0] =	sbarrier.arrive $0xFFFF  }
0x47: {  	s31 =	simm.s32 $0x2;
	[sflag:s2] =	ssyncpa.u1 $0x1  }
0x48: {  	[sflag:s31] =	ssyncpa.u1 $0x1  }
0x49: {  	p0 =	sne.s32 s0, $0x0;
	_ =	strace $0x9000004D  }
0x4a: {  	s0 =	sadd.s32 @!p0 $0x100000, s1;
	[bflag:$0x2] =	sbarrier.arrive $0xFFFF  }
0x4b: {  	[sflag:s0] =	ssyncadd.tile.s32 @!p0 $0x1;
	_ =	shalt  }
.Lfunc_end1:
_tile_overlayer_lowered:
.L_overlay_start_2:
0x4c: {  	(tag) =	ssettag $0x2  }
0x4d: {  	s0 =	rddreg [dreg:$0x0];
	s2 =	stileid.u32  }
0x4e: {  	s1 =	rddreg [dreg:$0x1];
	p0 =	sne.s32 s2, $0x0  }
0x4f: {  	s3 =	rddreg [dreg:$0x2];
	[bflag:$0x3] =	sbarrier.arrive $0xFFFF;
	s2 =	simm.s32 @!p0 $0x1C01  }
0x50: {  	[timem:s3], [sflag:s2] =	dma.local @!p0 [hbm:s0], s1  }
0x51: {  	s0 =	simm.s32 @!p0 $0x1  }
0x52: {  	_ =	swait.ge @!p0 [sflag:s0], s1  }
0x53: {  	s1 =	ssub.s32 @!p0 $0x0, s1;
	[sflag:s0] =	ssyncset.done @!p0 $0x0  }
0x54: {  	[sflag:s0] =	ssyncadd.s32 @!p0 s1  }
0x55: {  	[bflag:$0x3] =	sbarrier.arrive $0xFFFF  }
0x56: {  	_ =	shalt  }

</sc_bundles>
